<compile_context>
chip_gen: v7x
topology: tpu7x:2x2x1
jax: 0.10.2.dev20260603
libtpu: 0.0.44.dev20260713+nightly
codegen_flags: <defaults>
</compile_context>

<pallas_src>
import functools

import jax
import jax.numpy as jnp
from jax import lax
from jax.experimental import pallas as pl
from jax.experimental.pallas import tpu as pltpu
from jax.experimental.pallas import tpu_sc as plsc

_NR = 12
_H = 128
_STEPS = 4
_N = 10000
_B = 64
_E = 640000
_EPS = 1e-10

_NC = 2
_NS = 16
_CPT = _B // _NS

_K = 3072
_NB = 2
_CPC = 108
_EPC = _CPC * _K
_EPAD = _NC * _EPC
_NPAD = 10112
_DUMMY = _N + 8


def _lstm(query, W_ih, W_hh, b_ih, b_hh):
    T, B, H = query.shape
    h = jnp.zeros((B, H), dtype=query.dtype)
    c = jnp.zeros((B, H), dtype=query.dtype)
    outs = []
    for t in range(T):
        gates = query[t] @ W_ih.T + b_ih + h @ W_hh.T + b_hh
        i, f, g, o = jnp.split(gates, 4, axis=-1)
        i = jax.nn.sigmoid(i)
        f = jax.nn.sigmoid(f)
        g = jnp.tanh(g)
        o = jax.nn.sigmoid(o)
        c = f * c + i * g
        h = o * jnp.tanh(c)
        outs.append(h)
    return jnp.stack(outs, axis=0)


def _mp_body(ein_hbm, eout_hbm, etyp_hbm, inpT_hbm, wT_hbm, zeros_hbm, out_hbm,
             ein0, ein1, eout0, eout1, etyp0, etyp1,
             inp_0, inp_1, inp_2, inp_3, w_0, w_1, w_2, w_3,
             acc_0, acc_1, acc_2, acc_3, sem_i0, sem_i1):
    ein_r = (ein0, ein1)
    eout_r = (eout0, eout1)
    etyp_r = (etyp0, etyp1)
    inp_q = (inp_0, inp_1, inp_2, inp_3)
    w_q = (w_0, w_1, w_2, w_3)
    acc_q = (acc_0, acc_1, acc_2, acc_3)
    c = lax.axis_index("c")
    s = lax.axis_index("s")
    col0 = s * _CPT
    orow0 = c * _B + col0
    ebase = c * _EPC

    for q in range(_CPT):
        pltpu.sync_copy(inpT_hbm.at[col0 + q], inp_q[q])
        pltpu.sync_copy(wT_hbm.at[col0 + q], w_q[q].at[pl.ds(0, 24)])
        pltpu.sync_copy(zeros_hbm, acc_q[q])

    w_lo = [w_q[q][pl.ds(0, 16)] for q in range(_CPT)]
    w_hi = [w_q[q][pl.ds(16, 16)] for q in range(_CPT)]

    sems = (sem_i0, sem_i1)

    def idx_copies(g, b, issue):
        mk = pltpu.async_copy if issue else pltpu.make_async_copy
        off = ebase + g * _K
        return [mk(ein_hbm.at[pl.ds(off, _K)], ein_r[b], sems[b]),
                mk(eout_hbm.at[pl.ds(off, _K)], eout_r[b], sems[b]),
                mk(etyp_hbm.at[pl.ds(off, _K)], etyp_r[b], sems[b])]

    idx_copies(0, 0, True)

    def outer_body(go, carry):
        for k in range(_NB):
            g = go * _NB + k
            b = k

            @pl.when(g + 1 < _CPC)
            def _():
                idx_copies(g + 1, 1 - b, True)

            for d in idx_copies(g, b, False):
                d.wait()

            @plsc.parallel_loop(0, _K // 16, unroll=4)
            def _(j):
                base = j * 16
                nin = ein_r[b][pl.ds(base, 16)]
                nout = eout_r[b][pl.ds(base, 16)]
                et = etyp_r[b][pl.ds(base, 16)]
                vis = [plsc.load_gather(inp_q[q], [nin]) for q in range(_CPT)]
                etm = jnp.bitwise_and(et, 15)
                sel = et < 16
                for q in range(_CPT):
                    vw = jnp.where(sel,
                                   w_lo[q].at[etm].get(mode="promise_in_bounds"),
                                   w_hi[q].at[etm].get(mode="promise_in_bounds"))
                    plsc.addupdate_scatter(acc_q[q], [nout], vis[q] * vw)
        return carry

    lax.fori_loop(0, _CPC // _NB, outer_body, 0)

    for q in range(_CPT):
        pltpu.sync_copy(acc_q[q], out_hbm.at[orow0 + q])


@jax.jit
def _mp_step(ein, eout, etyp, inpT, wT, zeros_l):
    mesh = plsc.VectorSubcoreMesh(core_axis_name="c", subcore_axis_name="s")
    f = pl.kernel(
        _mp_body,
        out_type=jax.ShapeDtypeStruct((_NC * _B, _NPAD), jnp.float32),
        mesh=mesh,
        compiler_params=pltpu.CompilerParams(use_tc_tiling_on_sc=False,
                                             needs_layout_passes=False),
        scratch_types=[
            pltpu.VMEM((_K,), jnp.int32),
            pltpu.VMEM((_K,), jnp.int32),
            pltpu.VMEM((_K,), jnp.int32),
            pltpu.VMEM((_K,), jnp.int32),
            pltpu.VMEM((_K,), jnp.int32),
            pltpu.VMEM((_K,), jnp.int32),
            pltpu.VMEM((_NPAD,), jnp.float32),
            pltpu.VMEM((_NPAD,), jnp.float32),
            pltpu.VMEM((_NPAD,), jnp.float32),
            pltpu.VMEM((_NPAD,), jnp.float32),
            pltpu.VMEM((32,), jnp.float32),
            pltpu.VMEM((32,), jnp.float32),
            pltpu.VMEM((32,), jnp.float32),
            pltpu.VMEM((32,), jnp.float32),
            pltpu.VMEM((_NPAD,), jnp.float32),
            pltpu.VMEM((_NPAD,), jnp.float32),
            pltpu.VMEM((_NPAD,), jnp.float32),
            pltpu.VMEM((_NPAD,), jnp.float32),
            pltpu.SemaphoreType.DMA,
            pltpu.SemaphoreType.DMA,
        ],
    )
    return f(ein, eout, etyp, inpT, wT, zeros_l)


def kernel(edge_index, edge_type, h_index, t_index, r_index, query_table,
           W_ih, W_hh, b_ih, b_hh, Wl, bl, w_lin, b_lin):
    is_t_neg = jnp.all(h_index == h_index[:, :1], axis=-1, keepdims=True)
    nh = jnp.where(is_t_neg, h_index, t_index)
    nt = jnp.where(is_t_neg, t_index, h_index)
    nr = jnp.where(is_t_neg, r_index, r_index + _NR)
    hr = nh * _NR + nr
    hr_flat = hr.reshape(-1)
    hr_set, inv = jnp.unique(hr_flat, return_inverse=True, size=hr_flat.shape[0])
    inv = jnp.asarray(inv).reshape(hr.shape)
    h_set = hr_set // _NR
    r_set = hr_set % _NR

    end_index = jnp.full_like(r_set, _NR)
    q_index = jnp.stack([r_set] * (_STEPS - 1) + [end_index], axis=0)
    query = query_table[q_index]
    hidden = _lstm(query, W_ih, W_hh, b_ih, b_hh)

    atts = []
    weights = []
    for i in range(_STEPS):
        key_h = hidden[i]
        x = jnp.einsum('bd,tbd->bt', key_h, hidden[:i + 1])
        atts.append(jax.nn.softmax(x, axis=-1))
        weights.append(jax.nn.softmax(key_h @ Wl.T + bl, axis=-1))

    pad = _EPAD - _E
    node_in = edge_index[0].astype(jnp.int32)
    node_out = edge_index[1].astype(jnp.int32)
    ein = jnp.concatenate([node_in, jnp.full((pad,), _DUMMY, jnp.int32)])
    eout = jnp.concatenate([node_out, jnp.full((pad,), _DUMMY, jnp.int32)])
    etyp = jnp.concatenate([edge_type.astype(jnp.int32),
                            jnp.zeros((pad,), jnp.int32)])

    zeros_l = jnp.zeros((_NPAD,), jnp.float32)
    memT0 = jax.nn.one_hot(h_set, _NPAD, dtype=jnp.float32)
    mems = [memT0]
    outT_n = None
    for i in range(_STEPS):
        att = atts[i]
        inpT = mems[0] * att[:, 0][:, None]
        for t in range(1, i + 1):
            inpT = inpT + mems[t] * att[:, t][:, None]
        parts = _mp_step(ein, eout, etyp, inpT, weights[i], zeros_l)
        outT = parts[:_B] + parts[_B:]
        outT_n = outT / jnp.clip(outT.sum(axis=1, keepdims=True), _EPS)
        mems.append(outT_n)

    score = outT_n[inv, nt]
    score = score * w_lin[0, 0] + b_lin[0]
    return score

# --- scband reference (transcript-rebuilt; emitter-appended) ---
"""Pipeline reference for scband-neural-logic-programming-24404004176248 (READ-ONLY COPY).

The authoritative reference and input builder live on the scoring server;
editing this copy changes nothing except your own understanding.
"""

import jax, jax.numpy as jnp
import numpy as np

NUM_RELATION = 12  # init num_relation=24 halved inside the module
HIDDEN_DIM = 128
NUM_STEP = 4
NUM_NODES = 10000
NUM_EDGES = 640000
EPS = 1e-10


def setup_inputs(seed: int = 0):
    key = jax.random.key(seed)
    ks = jax.random.split(key, 14)
    H = HIDDEN_DIM
    s = 1.0 / np.sqrt(H)
    inp = {}
    inp["edge_index"] = jax.random.randint(ks[0], (2, NUM_EDGES), 0, NUM_NODES)
    inp["edge_type"] = jax.random.randint(ks[1], (NUM_EDGES,), 0, 2 * NUM_RELATION)
    inp["h_index"] = jax.random.randint(ks[2], (16, 4), 0, NUM_NODES)
    inp["t_index"] = jax.random.randint(ks[3], (16, 4), 0, NUM_NODES)
    inp["r_index"] = jax.random.randint(ks[4], (16, 4), 0, NUM_RELATION)
    inp["query_table"] = jax.random.normal(ks[5], (2 * NUM_RELATION + 1, H), dtype=jnp.float32) * 0.02
    inp["W_ih"] = jax.random.uniform(ks[6], (4 * H, H), minval=-s, maxval=s, dtype=jnp.float32)
    inp["W_hh"] = jax.random.uniform(ks[7], (4 * H, H), minval=-s, maxval=s, dtype=jnp.float32)
    inp["b_ih"] = jax.random.uniform(ks[8], (4 * H,), minval=-s, maxval=s, dtype=jnp.float32)
    inp["b_hh"] = jax.random.uniform(ks[9], (4 * H,), minval=-s, maxval=s, dtype=jnp.float32)
    inp["Wl"] = jax.random.uniform(ks[10], (2 * NUM_RELATION, H), minval=-s, maxval=s, dtype=jnp.float32)
    inp["bl"] = jax.random.uniform(ks[11], (2 * NUM_RELATION,), minval=-s, maxval=s, dtype=jnp.float32)
    inp["w_lin"] = jax.random.uniform(ks[12], (1, 1), minval=-1.0, maxval=1.0, dtype=jnp.float32)
    inp["b_lin"] = jax.random.uniform(ks[13], (1,), minval=-1.0, maxval=1.0, dtype=jnp.float32)
    return inp


def _lstm(query, W_ih, W_hh, b_ih, b_hh):
    T, B, H = query.shape
    h = jnp.zeros((B, H), dtype=query.dtype)
    c = jnp.zeros((B, H), dtype=query.dtype)
    outs = []
    for t in range(T):
        gates = query[t] @ W_ih.T + b_ih + h @ W_hh.T + b_hh
        i, f, g, o = jnp.split(gates, 4, axis=-1)
        i = jax.nn.sigmoid(i)
        f = jax.nn.sigmoid(f)
        g = jnp.tanh(g)
        o = jax.nn.sigmoid(o)
        c = f * c + i * g
        h = o * jnp.tanh(c)
        outs.append(h)
    return jnp.stack(outs, axis=0)


def _get_t_output(h_set, r_set, node_in, node_out, edge_type, query_table, W_ih, W_hh, b_ih, b_hh, Wl, bl):
    end_index = jnp.full_like(r_set, NUM_RELATION)
    q_index = jnp.stack([r_set] * (NUM_STEP - 1) + [end_index], axis=0)
    query = query_table[q_index]
    hidden = _lstm(query, W_ih, W_hh, b_ih, b_hh)
    memory = jax.nn.one_hot(h_set, NUM_NODES + 1, dtype=jnp.float32)[None]
    edge_weight = jnp.ones((node_in.shape[0], 1), dtype=jnp.float32)
    output = None
    for i in range(NUM_STEP):
        key_h = hidden[i]
        value = hidden[:i + 1]
        x = jnp.einsum('bd,tbd->bt', key_h, value)
        attention = jax.nn.softmax(x, axis=-1)
        inp = jnp.einsum('bt,tbn->nb', attention, memory)
        weight = jax.nn.softmax(key_h @ Wl.T + bl, axis=-1).T
        message = inp[node_in] * weight[edge_type]
        output = jax.ops.segment_sum(message * edge_weight, node_out, num_segments=NUM_NODES + 1)
        output = output / jnp.clip(output.sum(axis=0, keepdims=True), EPS)
        memory = jnp.concatenate([memory, output.T[None]], axis=0)
    return output


def reference(edge_index, edge_type, h_index, t_index, r_index, query_table, W_ih, W_hh, b_ih, b_hh, Wl, bl, w_lin, b_lin):
    # negative_sample_to_tail
    is_t_neg = jnp.all(h_index == h_index[:, :1], axis=-1, keepdims=True)
    nh = jnp.where(is_t_neg, h_index, t_index)
    nt = jnp.where(is_t_neg, t_index, h_index)
    nr = jnp.where(is_t_neg, r_index, r_index + NUM_RELATION)
    hr = nh * NUM_RELATION + nr
    hr_flat = hr.reshape(-1)
    hr_set, inv = jnp.unique(hr_flat, return_inverse=True, size=hr_flat.shape[0])
    inv = jnp.asarray(inv).reshape(hr.shape)
    h_set = hr_set // NUM_RELATION
    r_set = hr_set % NUM_RELATION
    node_in = edge_index[0]
    node_out = edge_index[1]
    output = _get_t_output(h_set, r_set, node_in, node_out, edge_type, query_table, W_ih, W_hh, b_ih, b_hh, Wl, bl)
    score = output[nt, inv]
    score = score * w_lin[0, 0] + b_lin[0]
    return score

if __name__ == "__main__":
    import jax
    _d = setup_inputs()
    print(jax.jit(kernel)(*tuple(_d.values())))

</pallas_src>

<mosaic_0001>
#map = affine_map<(d0, d1) -> (0)>
#map1 = affine_map<(d0, d1) -> (0, 0)>
module attributes {stable_mosaic.version = 14 : i64} {
  func.func @_mp_body(%arg0: i32, %arg1: i32, %arg2: memref<663552xi32, #tpu.memory_space<hbm>>, %arg3: memref<663552xi32, #tpu.memory_space<hbm>>, %arg4: memref<663552xi32, #tpu.memory_space<hbm>>, %arg5: memref<64x10112xf32, #tpu.memory_space<hbm>>, %arg6: memref<64x24xf32, #tpu.memory_space<hbm>>, %arg7: memref<10112xf32, #tpu.memory_space<hbm>>, %arg8: memref<128x10112xf32, #tpu.memory_space<hbm>>, %arg9: memref<3072xi32, #tpu.memory_space<vmem>>, %arg10: memref<3072xi32, #tpu.memory_space<vmem>>, %arg11: memref<3072xi32, #tpu.memory_space<vmem>>, %arg12: memref<3072xi32, #tpu.memory_space<vmem>>, %arg13: memref<3072xi32, #tpu.memory_space<vmem>>, %arg14: memref<3072xi32, #tpu.memory_space<vmem>>, %arg15: memref<10112xf32, #tpu.memory_space<vmem>>, %arg16: memref<10112xf32, #tpu.memory_space<vmem>>, %arg17: memref<10112xf32, #tpu.memory_space<vmem>>, %arg18: memref<10112xf32, #tpu.memory_space<vmem>>, %arg19: memref<32xf32, #tpu.memory_space<vmem>>, %arg20: memref<32xf32, #tpu.memory_space<vmem>>, %arg21: memref<32xf32, #tpu.memory_space<vmem>>, %arg22: memref<32xf32, #tpu.memory_space<vmem>>, %arg23: memref<10112xf32, #tpu.memory_space<vmem>>, %arg24: memref<10112xf32, #tpu.memory_space<vmem>>, %arg25: memref<10112xf32, #tpu.memory_space<vmem>>, %arg26: memref<10112xf32, #tpu.memory_space<vmem>>, %arg27: memref<!tpu.dma_semaphore, #tpu.memory_space<semaphore_mem>>, %arg28: memref<!tpu.dma_semaphore, #tpu.memory_space<semaphore_mem>>) attributes {dimension_semantics = [#tpu.dimension_semantics<core_parallel>, #tpu.dimension_semantics<subcore_parallel>], iteration_bounds = array<i64: 2, 16>, scalar_prefetch = 0 : i64, scratch_operands = 20 : i64, tpu.core_type = #tpu.core_type<sc_vector_subcore>, window_params = [{transform_indices = #map}, {transform_indices = #map}, {transform_indices = #map}, {transform_indices = #map1}, {transform_indices = #map1}, {transform_indices = #map}, {transform_indices = #map1}]} {
    %mul3A = arith.constant 4 : i32
    %mul3A_0 = arith.muli %arg1, %mul3A : i32
    %mul3A_1 = arith.constant 64 : i32
    %mul3A_2 = arith.muli %arg0, %mul3A_1 : i32
    %add3A = arith.addi %mul3A_2, %mul3A_0 : i32
    %mul3A_3 = arith.constant 331776 : i32
    %mul3A_4 = arith.muli %arg0, %mul3A_3 : i32
    %add3A_5 = arith.constant 0 : i32
    %add3A_6 = arith.addi %mul3A_0, %add3A_5 : i32
    "tpu.region"() ({
      %run_scoped3A = tpu.sem_alloc : memref<!tpu.dma_semaphore, #tpu.memory_space<semaphore_mem>>
      %dma_start3A_56 = arith.constant 0 : i32
      %dma_start3A_57 = tpu.memref_slice %arg5[%add3A_6, %dma_start3A_56] : memref<64x10112xf32, #tpu.memory_space<hbm>> -> memref<1x10112xf32, #tpu.memory_space<hbm>>
      %dma_start3A_58 = tpu.memref_squeeze %dma_start3A_57 : memref<1x10112xf32, #tpu.memory_space<hbm>> -> memref<10112xf32, #tpu.memory_space<hbm>>
      %dma_start3A_59 = arith.constant 0 : i32
      %dma_start3A_60 = tpu.memref_slice %arg5[%add3A_6, %dma_start3A_59] : memref<64x10112xf32, #tpu.memory_space<hbm>> -> memref<1x10112xf32, #tpu.memory_space<hbm>>
      %dma_start3A_61 = tpu.memref_squeeze %dma_start3A_60 : memref<1x10112xf32, #tpu.memory_space<hbm>> -> memref<10112xf32, #tpu.memory_space<hbm>>
      tpu.enqueue_dma source(%dma_start3A_61 : memref<10112xf32, #tpu.memory_space<hbm>>) target(%arg15 : memref<10112xf32, #tpu.memory_space<vmem>>) target_semaphore(%run_scoped3A : memref<!tpu.dma_semaphore, #tpu.memory_space<semaphore_mem>>)
      %dma_wait3A = arith.constant 0 : i32
      %dma_wait3A_62 = tpu.memref_slice %arg5[%add3A_6, %dma_wait3A] : memref<64x10112xf32, #tpu.memory_space<hbm>> -> memref<1x10112xf32, #tpu.memory_space<hbm>>
      %dma_wait3A_63 = tpu.memref_squeeze %dma_wait3A_62 : memref<1x10112xf32, #tpu.memory_space<hbm>> -> memref<10112xf32, #tpu.memory_space<hbm>>
      %dma_wait3A_64 = arith.constant 0 : i32
      %dma_wait3A_65 = tpu.memref_slice %arg5[%add3A_6, %dma_wait3A_64] : memref<64x10112xf32, #tpu.memory_space<hbm>> -> memref<1x10112xf32, #tpu.memory_space<hbm>>
      %dma_wait3A_66 = tpu.memref_squeeze %dma_wait3A_65 : memref<1x10112xf32, #tpu.memory_space<hbm>> -> memref<10112xf32, #tpu.memory_space<hbm>>
      tpu.wait_dma2 semaphore(%run_scoped3A : memref<!tpu.dma_semaphore, #tpu.memory_space<semaphore_mem>>) src(%dma_wait3A_66 : memref<10112xf32, #tpu.memory_space<hbm>>) dst(%arg15 : memref<10112xf32, #tpu.memory_space<vmem>>)
      tpu.yield
    }) : () -> ()
    %add3A_7 = arith.constant 0 : i32
    %add3A_8 = arith.addi %mul3A_0, %add3A_7 : i32
    "tpu.region"() ({
      %run_scoped3A = tpu.sem_alloc : memref<!tpu.dma_semaphore, #tpu.memory_space<semaphore_mem>>
      %dma_start3A_56 = arith.constant 0 : i32
      %dma_start3A_57 = tpu.memref_slice %arg19[%dma_start3A_56] : memref<32xf32, #tpu.memory_space<vmem>> -> memref<24xf32, #tpu.memory_space<vmem>>
      %dma_start3A_58 = arith.constant 0 : i32
      %dma_start3A_59 = tpu.memref_slice %arg6[%add3A_8, %dma_start3A_58] : memref<64x24xf32, #tpu.memory_space<hbm>> -> memref<1x24xf32, #tpu.memory_space<hbm>>
      %dma_start3A_60 = tpu.memref_squeeze %dma_start3A_59 : memref<1x24xf32, #tpu.memory_space<hbm>> -> memref<24xf32, #tpu.memory_space<hbm>>
      %dma_start3A_61 = arith.constant 0 : i32
      %dma_start3A_62 = tpu.memref_slice %arg19[%dma_start3A_61] : memref<32xf32, #tpu.memory_space<vmem>> -> memref<24xf32, #tpu.memory_space<vmem>>
      %dma_start3A_63 = arith.constant 0 : i32
      %dma_start3A_64 = tpu.memref_slice %arg6[%add3A_8, %dma_start3A_63] : memref<64x24xf32, #tpu.memory_space<hbm>> -> memref<1x24xf32, #tpu.memory_space<hbm>>
      %dma_start3A_65 = tpu.memref_squeeze %dma_start3A_64 : memref<1x24xf32, #tpu.memory_space<hbm>> -> memref<24xf32, #tpu.memory_space<hbm>>
      tpu.enqueue_dma source(%dma_start3A_65 : memref<24xf32, #tpu.memory_space<hbm>>) target(%dma_start3A_62 : memref<24xf32, #tpu.memory_space<vmem>>) target_semaphore(%run_scoped3A : memref<!tpu.dma_semaphore, #tpu.memory_space<semaphore_mem>>)
      %dma_wait3A = arith.constant 0 : i32
      %dma_wait3A_66 = tpu.memref_slice %arg19[%dma_wait3A] : memref<32xf32, #tpu.memory_space<vmem>> -> memref<24xf32, #tpu.memory_space<vmem>>
      %dma_wait3A_67 = arith.constant 0 : i32
      %dma_wait3A_68 = tpu.memref_slice %arg6[%add3A_8, %dma_wait3A_67] : memref<64x24xf32, #tpu.memory_space<hbm>> -> memref<1x24xf32, #tpu.memory_space<hbm>>
      %dma_wait3A_69 = tpu.memref_squeeze %dma_wait3A_68 : memref<1x24xf32, #tpu.memory_space<hbm>> -> memref<24xf32, #tpu.memory_space<hbm>>
      %dma_wait3A_70 = arith.constant 0 : i32
      %dma_wait3A_71 = tpu.memref_slice %arg19[%dma_wait3A_70] : memref<32xf32, #tpu.memory_space<vmem>> -> memref<24xf32, #tpu.memory_space<vmem>>
      %dma_wait3A_72 = arith.constant 0 : i32
      %dma_wait3A_73 = tpu.memref_slice %arg6[%add3A_8, %dma_wait3A_72] : memref<64x24xf32, #tpu.memory_space<hbm>> -> memref<1x24xf32, #tpu.memory_space<hbm>>
      %dma_wait3A_74 = tpu.memref_squeeze %dma_wait3A_73 : memref<1x24xf32, #tpu.memory_space<hbm>> -> memref<24xf32, #tpu.memory_space<hbm>>
      tpu.wait_dma2 semaphore(%run_scoped3A : memref<!tpu.dma_semaphore, #tpu.memory_space<semaphore_mem>>) src(%dma_wait3A_74 : memref<24xf32, #tpu.memory_space<hbm>>) dst(%dma_wait3A_71 : memref<24xf32, #tpu.memory_space<vmem>>)
      tpu.yield
    }) : () -> ()
    "tpu.region"() ({
      %run_scoped3A = tpu.sem_alloc : memref<!tpu.dma_semaphore, #tpu.memory_space<semaphore_mem>>
      tpu.enqueue_dma source(%arg7 : memref<10112xf32, #tpu.memory_space<hbm>>) target(%arg23 : memref<10112xf32, #tpu.memory_space<vmem>>) target_semaphore(%run_scoped3A : memref<!tpu.dma_semaphore, #tpu.memory_space<semaphore_mem>>)
      tpu.wait_dma2 semaphore(%run_scoped3A : memref<!tpu.dma_semaphore, #tpu.memory_space<semaphore_mem>>) src(%arg7 : memref<10112xf32, #tpu.memory_space<hbm>>) dst(%arg23 : memref<10112xf32, #tpu.memory_space<vmem>>)
      tpu.yield
    }) : () -> ()
    %add3A_9 = arith.constant 1 : i32
    %add3A_10 = arith.addi %mul3A_0, %add3A_9 : i32
    "tpu.region"() ({
      %run_scoped3A = tpu.sem_alloc : memref<!tpu.dma_semaphore, #tpu.memory_space<semaphore_mem>>
      %dma_start3A_56 = arith.constant 0 : i32
      %dma_start3A_57 = tpu.memref_slice %arg5[%add3A_10, %dma_start3A_56] : memref<64x10112xf32, #tpu.memory_space<hbm>> -> memref<1x10112xf32, #tpu.memory_space<hbm>>
      %dma_start3A_58 = tpu.memref_squeeze %dma_start3A_57 : memref<1x10112xf32, #tpu.memory_space<hbm>> -> memref<10112xf32, #tpu.memory_space<hbm>>
      %dma_start3A_59 = arith.constant 0 : i32
      %dma_start3A_60 = tpu.memref_slice %arg5[%add3A_10, %dma_start3A_59] : memref<64x10112xf32, #tpu.memory_space<hbm>> -> memref<1x10112xf32, #tpu.memory_space<hbm>>
      %dma_start3A_61 = tpu.memref_squeeze %dma_start3A_60 : memref<1x10112xf32, #tpu.memory_space<hbm>> -> memref<10112xf32, #tpu.memory_space<hbm>>
      tpu.enqueue_dma source(%dma_start3A_61 : memref<10112xf32, #tpu.memory_space<hbm>>) target(%arg16 : memref<10112xf32, #tpu.memory_space<vmem>>) target_semaphore(%run_scoped3A : memref<!tpu.dma_semaphore, #tpu.memory_space<semaphore_mem>>)
      %dma_wait3A = arith.constant 0 : i32
      %dma_wait3A_62 = tpu.memref_slice %arg5[%add3A_10, %dma_wait3A] : memref<64x10112xf32, #tpu.memory_space<hbm>> -> memref<1x10112xf32, #tpu.memory_space<hbm>>
      %dma_wait3A_63 = tpu.memref_squeeze %dma_wait3A_62 : memref<1x10112xf32, #tpu.memory_space<hbm>> -> memref<10112xf32, #tpu.memory_space<hbm>>
      %dma_wait3A_64 = arith.constant 0 : i32
      %dma_wait3A_65 = tpu.memref_slice %arg5[%add3A_10, %dma_wait3A_64] : memref<64x10112xf32, #tpu.memory_space<hbm>> -> memref<1x10112xf32, #tpu.memory_space<hbm>>
      %dma_wait3A_66 = tpu.memref_squeeze %dma_wait3A_65 : memref<1x10112xf32, #tpu.memory_space<hbm>> -> memref<10112xf32, #tpu.memory_space<hbm>>
      tpu.wait_dma2 semaphore(%run_scoped3A : memref<!tpu.dma_semaphore, #tpu.memory_space<semaphore_mem>>) src(%dma_wait3A_66 : memref<10112xf32, #tpu.memory_space<hbm>>) dst(%arg16 : memref<10112xf32, #tpu.memory_space<vmem>>)
      tpu.yield
    }) : () -> ()
    %add3A_11 = arith.constant 1 : i32
    %add3A_12 = arith.addi %mul3A_0, %add3A_11 : i32
    "tpu.region"() ({
      %run_scoped3A = tpu.sem_alloc : memref<!tpu.dma_semaphore, #tpu.memory_space<semaphore_mem>>
      %dma_start3A_56 = arith.constant 0 : i32
      %dma_start3A_57 = tpu.memref_slice %arg20[%dma_start3A_56] : memref<32xf32, #tpu.memory_space<vmem>> -> memref<24xf32, #tpu.memory_space<vmem>>
      %dma_start3A_58 = arith.constant 0 : i32
      %dma_start3A_59 = tpu.memref_slice %arg6[%add3A_12, %dma_start3A_58] : memref<64x24xf32, #tpu.memory_space<hbm>> -> memref<1x24xf32, #tpu.memory_space<hbm>>
      %dma_start3A_60 = tpu.memref_squeeze %dma_start3A_59 : memref<1x24xf32, #tpu.memory_space<hbm>> -> memref<24xf32, #tpu.memory_space<hbm>>
      %dma_start3A_61 = arith.constant 0 : i32
      %dma_start3A_62 = tpu.memref_slice %arg20[%dma_start3A_61] : memref<32xf32, #tpu.memory_space<vmem>> -> memref<24xf32, #tpu.memory_space<vmem>>
      %dma_start3A_63 = arith.constant 0 : i32
      %dma_start3A_64 = tpu.memref_slice %arg6[%add3A_12, %dma_start3A_63] : memref<64x24xf32, #tpu.memory_space<hbm>> -> memref<1x24xf32, #tpu.memory_space<hbm>>
      %dma_start3A_65 = tpu.memref_squeeze %dma_start3A_64 : memref<1x24xf32, #tpu.memory_space<hbm>> -> memref<24xf32, #tpu.memory_space<hbm>>
      tpu.enqueue_dma source(%dma_start3A_65 : memref<24xf32, #tpu.memory_space<hbm>>) target(%dma_start3A_62 : memref<24xf32, #tpu.memory_space<vmem>>) target_semaphore(%run_scoped3A : memref<!tpu.dma_semaphore, #tpu.memory_space<semaphore_mem>>)
      %dma_wait3A = arith.constant 0 : i32
      %dma_wait3A_66 = tpu.memref_slice %arg20[%dma_wait3A] : memref<32xf32, #tpu.memory_space<vmem>> -> memref<24xf32, #tpu.memory_space<vmem>>
      %dma_wait3A_67 = arith.constant 0 : i32
      %dma_wait3A_68 = tpu.memref_slice %arg6[%add3A_12, %dma_wait3A_67] : memref<64x24xf32, #tpu.memory_space<hbm>> -> memref<1x24xf32, #tpu.memory_space<hbm>>
      %dma_wait3A_69 = tpu.memref_squeeze %dma_wait3A_68 : memref<1x24xf32, #tpu.memory_space<hbm>> -> memref<24xf32, #tpu.memory_space<hbm>>
      %dma_wait3A_70 = arith.constant 0 : i32
      %dma_wait3A_71 = tpu.memref_slice %arg20[%dma_wait3A_70] : memref<32xf32, #tpu.memory_space<vmem>> -> memref<24xf32, #tpu.memory_space<vmem>>
      %dma_wait3A_72 = arith.constant 0 : i32
      %dma_wait3A_73 = tpu.memref_slice %arg6[%add3A_12, %dma_wait3A_72] : memref<64x24xf32, #tpu.memory_space<hbm>> -> memref<1x24xf32, #tpu.memory_space<hbm>>
      %dma_wait3A_74 = tpu.memref_squeeze %dma_wait3A_73 : memref<1x24xf32, #tpu.memory_space<hbm>> -> memref<24xf32, #tpu.memory_space<hbm>>
      tpu.wait_dma2 semaphore(%run_scoped3A : memref<!tpu.dma_semaphore, #tpu.memory_space<semaphore_mem>>) src(%dma_wait3A_74 : memref<24xf32, #tpu.memory_space<hbm>>) dst(%dma_wait3A_71 : memref<24xf32, #tpu.memory_space<vmem>>)
      tpu.yield
    }) : () -> ()
    "tpu.region"() ({
      %run_scoped3A = tpu.sem_alloc : memref<!tpu.dma_semaphore, #tpu.memory_space<semaphore_mem>>
      tpu.enqueue_dma source(%arg7 : memref<10112xf32, #tpu.memory_space<hbm>>) target(%arg24 : memref<10112xf32, #tpu.memory_space<vmem>>) target_semaphore(%run_scoped3A : memref<!tpu.dma_semaphore, #tpu.memory_space<semaphore_mem>>)
      tpu.wait_dma2 semaphore(%run_scoped3A : memref<!tpu.dma_semaphore, #tpu.memory_space<semaphore_mem>>) src(%arg7 : memref<10112xf32, #tpu.memory_space<hbm>>) dst(%arg24 : memref<10112xf32, #tpu.memory_space<vmem>>)
      tpu.yield
    }) : () -> ()
    %add3A_13 = arith.constant 2 : i32
    %add3A_14 = arith.addi %mul3A_0, %add3A_13 : i32
    "tpu.region"() ({
      %run_scoped3A = tpu.sem_alloc : memref<!tpu.dma_semaphore, #tpu.memory_space<semaphore_mem>>
      %dma_start3A_56 = arith.constant 0 : i32
      %dma_start3A_57 = tpu.memref_slice %arg5[%add3A_14, %dma_start3A_56] : memref<64x10112xf32, #tpu.memory_space<hbm>> -> memref<1x10112xf32, #tpu.memory_space<hbm>>
      %dma_start3A_58 = tpu.memref_squeeze %dma_start3A_57 : memref<1x10112xf32, #tpu.memory_space<hbm>> -> memref<10112xf32, #tpu.memory_space<hbm>>
      %dma_start3A_59 = arith.constant 0 : i32
      %dma_start3A_60 = tpu.memref_slice %arg5[%add3A_14, %dma_start3A_59] : memref<64x10112xf32, #tpu.memory_space<hbm>> -> memref<1x10112xf32, #tpu.memory_space<hbm>>
      %dma_start3A_61 = tpu.memref_squeeze %dma_start3A_60 : memref<1x10112xf32, #tpu.memory_space<hbm>> -> memref<10112xf32, #tpu.memory_space<hbm>>
      tpu.enqueue_dma source(%dma_start3A_61 : memref<10112xf32, #tpu.memory_space<hbm>>) target(%arg17 : memref<10112xf32, #tpu.memory_space<vmem>>) target_semaphore(%run_scoped3A : memref<!tpu.dma_semaphore, #tpu.memory_space<semaphore_mem>>)
      %dma_wait3A = arith.constant 0 : i32
      %dma_wait3A_62 = tpu.memref_slice %arg5[%add3A_14, %dma_wait3A] : memref<64x10112xf32, #tpu.memory_space<hbm>> -> memref<1x10112xf32, #tpu.memory_space<hbm>>
      %dma_wait3A_63 = tpu.memref_squeeze %dma_wait3A_62 : memref<1x10112xf32, #tpu.memory_space<hbm>> -> memref<10112xf32, #tpu.memory_space<hbm>>
      %dma_wait3A_64 = arith.constant 0 : i32
      %dma_wait3A_65 = tpu.memref_slice %arg5[%add3A_14, %dma_wait3A_64] : memref<64x10112xf32, #tpu.memory_space<hbm>> -> memref<1x10112xf32, #tpu.memory_space<hbm>>
      %dma_wait3A_66 = tpu.memref_squeeze %dma_wait3A_65 : memref<1x10112xf32, #tpu.memory_space<hbm>> -> memref<10112xf32, #tpu.memory_space<hbm>>
      tpu.wait_dma2 semaphore(%run_scoped3A : memref<!tpu.dma_semaphore, #tpu.memory_space<semaphore_mem>>) src(%dma_wait3A_66 : memref<10112xf32, #tpu.memory_space<hbm>>) dst(%arg17 : memref<10112xf32, #tpu.memory_space<vmem>>)
      tpu.yield
    }) : () -> ()
    %add3A_15 = arith.constant 2 : i32
    %add3A_16 = arith.addi %mul3A_0, %add3A_15 : i32
    "tpu.region"() ({
      %run_scoped3A = tpu.sem_alloc : memref<!tpu.dma_semaphore, #tpu.memory_space<semaphore_mem>>
      %dma_start3A_56 = arith.constant 0 : i32
      %dma_start3A_57 = tpu.memref_slice %arg21[%dma_start3A_56] : memref<32xf32, #tpu.memory_space<vmem>> -> memref<24xf32, #tpu.memory_space<vmem>>
      %dma_start3A_58 = arith.constant 0 : i32
      %dma_start3A_59 = tpu.memref_slice %arg6[%add3A_16, %dma_start3A_58] : memref<64x24xf32, #tpu.memory_space<hbm>> -> memref<1x24xf32, #tpu.memory_space<hbm>>
      %dma_start3A_60 = tpu.memref_squeeze %dma_start3A_59 : memref<1x24xf32, #tpu.memory_space<hbm>> -> memref<24xf32, #tpu.memory_space<hbm>>
      %dma_start3A_61 = arith.constant 0 : i32
      %dma_start3A_62 = tpu.memref_slice %arg21[%dma_start3A_61] : memref<32xf32, #tpu.memory_space<vmem>> -> memref<24xf32, #tpu.memory_space<vmem>>
      %dma_start3A_63 = arith.constant 0 : i32
      %dma_start3A_64 = tpu.memref_slice %arg6[%add3A_16, %dma_start3A_63] : memref<64x24xf32, #tpu.memory_space<hbm>> -> memref<1x24xf32, #tpu.memory_space<hbm>>
      %dma_start3A_65 = tpu.memref_squeeze %dma_start3A_64 : memref<1x24xf32, #tpu.memory_space<hbm>> -> memref<24xf32, #tpu.memory_space<hbm>>
      tpu.enqueue_dma source(%dma_start3A_65 : memref<24xf32, #tpu.memory_space<hbm>>) target(%dma_start3A_62 : memref<24xf32, #tpu.memory_space<vmem>>) target_semaphore(%run_scoped3A : memref<!tpu.dma_semaphore, #tpu.memory_space<semaphore_mem>>)
      %dma_wait3A = arith.constant 0 : i32
      %dma_wait3A_66 = tpu.memref_slice %arg21[%dma_wait3A] : memref<32xf32, #tpu.memory_space<vmem>> -> memref<24xf32, #tpu.memory_space<vmem>>
      %dma_wait3A_67 = arith.constant 0 : i32
      %dma_wait3A_68 = tpu.memref_slice %arg6[%add3A_16, %dma_wait3A_67] : memref<64x24xf32, #tpu.memory_space<hbm>> -> memref<1x24xf32, #tpu.memory_space<hbm>>
      %dma_wait3A_69 = tpu.memref_squeeze %dma_wait3A_68 : memref<1x24xf32, #tpu.memory_space<hbm>> -> memref<24xf32, #tpu.memory_space<hbm>>
      %dma_wait3A_70 = arith.constant 0 : i32
      %dma_wait3A_71 = tpu.memref_slice %arg21[%dma_wait3A_70] : memref<32xf32, #tpu.memory_space<vmem>> -> memref<24xf32, #tpu.memory_space<vmem>>
      %dma_wait3A_72 = arith.constant 0 : i32
      %dma_wait3A_73 = tpu.memref_slice %arg6[%add3A_16, %dma_wait3A_72] : memref<64x24xf32, #tpu.memory_space<hbm>> -> memref<1x24xf32, #tpu.memory_space<hbm>>
      %dma_wait3A_74 = tpu.memref_squeeze %dma_wait3A_73 : memref<1x24xf32, #tpu.memory_space<hbm>> -> memref<24xf32, #tpu.memory_space<hbm>>
      tpu.wait_dma2 semaphore(%run_scoped3A : memref<!tpu.dma_semaphore, #tpu.memory_space<semaphore_mem>>) src(%dma_wait3A_74 : memref<24xf32, #tpu.memory_space<hbm>>) dst(%dma_wait3A_71 : memref<24xf32, #tpu.memory_space<vmem>>)
      tpu.yield
    }) : () -> ()
    "tpu.region"() ({
      %run_scoped3A = tpu.sem_alloc : memref<!tpu.dma_semaphore, #tpu.memory_space<semaphore_mem>>
      tpu.enqueue_dma source(%arg7 : memref<10112xf32, #tpu.memory_space<hbm>>) target(%arg25 : memref<10112xf32, #tpu.memory_space<vmem>>) target_semaphore(%run_scoped3A : memref<!tpu.dma_semaphore, #tpu.memory_space<semaphore_mem>>)
      tpu.wait_dma2 semaphore(%run_scoped3A : memref<!tpu.dma_semaphore, #tpu.memory_space<semaphore_mem>>) src(%arg7 : memref<10112xf32, #tpu.memory_space<hbm>>) dst(%arg25 : memref<10112xf32, #tpu.memory_space<vmem>>)
      tpu.yield
    }) : () -> ()
    %add3A_17 = arith.constant 3 : i32
    %add3A_18 = arith.addi %mul3A_0, %add3A_17 : i32
    "tpu.region"() ({
      %run_scoped3A = tpu.sem_alloc : memref<!tpu.dma_semaphore, #tpu.memory_space<semaphore_mem>>
      %dma_start3A_56 = arith.constant 0 : i32
      %dma_start3A_57 = tpu.memref_slice %arg5[%add3A_18, %dma_start3A_56] : memref<64x10112xf32, #tpu.memory_space<hbm>> -> memref<1x10112xf32, #tpu.memory_space<hbm>>
      %dma_start3A_58 = tpu.memref_squeeze %dma_start3A_57 : memref<1x10112xf32, #tpu.memory_space<hbm>> -> memref<10112xf32, #tpu.memory_space<hbm>>
      %dma_start3A_59 = arith.constant 0 : i32
      %dma_start3A_60 = tpu.memref_slice %arg5[%add3A_18, %dma_start3A_59] : memref<64x10112xf32, #tpu.memory_space<hbm>> -> memref<1x10112xf32, #tpu.memory_space<hbm>>
      %dma_start3A_61 = tpu.memref_squeeze %dma_start3A_60 : memref<1x10112xf32, #tpu.memory_space<hbm>> -> memref<10112xf32, #tpu.memory_space<hbm>>
      tpu.enqueue_dma source(%dma_start3A_61 : memref<10112xf32, #tpu.memory_space<hbm>>) target(%arg18 : memref<10112xf32, #tpu.memory_space<vmem>>) target_semaphore(%run_scoped3A : memref<!tpu.dma_semaphore, #tpu.memory_space<semaphore_mem>>)
      %dma_wait3A = arith.constant 0 : i32
      %dma_wait3A_62 = tpu.memref_slice %arg5[%add3A_18, %dma_wait3A] : memref<64x10112xf32, #tpu.memory_space<hbm>> -> memref<1x10112xf32, #tpu.memory_space<hbm>>
      %dma_wait3A_63 = tpu.memref_squeeze %dma_wait3A_62 : memref<1x10112xf32, #tpu.memory_space<hbm>> -> memref<10112xf32, #tpu.memory_space<hbm>>
      %dma_wait3A_64 = arith.constant 0 : i32
      %dma_wait3A_65 = tpu.memref_slice %arg5[%add3A_18, %dma_wait3A_64] : memref<64x10112xf32, #tpu.memory_space<hbm>> -> memref<1x10112xf32, #tpu.memory_space<hbm>>
      %dma_wait3A_66 = tpu.memref_squeeze %dma_wait3A_65 : memref<1x10112xf32, #tpu.memory_space<hbm>> -> memref<10112xf32, #tpu.memory_space<hbm>>
      tpu.wait_dma2 semaphore(%run_scoped3A : memref<!tpu.dma_semaphore, #tpu.memory_space<semaphore_mem>>) src(%dma_wait3A_66 : memref<10112xf32, #tpu.memory_space<hbm>>) dst(%arg18 : memref<10112xf32, #tpu.memory_space<vmem>>)
      tpu.yield
    }) : () -> ()
    %add3A_19 = arith.constant 3 : i32
    %add3A_20 = arith.addi %mul3A_0, %add3A_19 : i32
    "tpu.region"() ({
      %run_scoped3A = tpu.sem_alloc : memref<!tpu.dma_semaphore, #tpu.memory_space<semaphore_mem>>
      %dma_start3A_56 = arith.constant 0 : i32
      %dma_start3A_57 = tpu.memref_slice %arg22[%dma_start3A_56] : memref<32xf32, #tpu.memory_space<vmem>> -> memref<24xf32, #tpu.memory_space<vmem>>
      %dma_start3A_58 = arith.constant 0 : i32
      %dma_start3A_59 = tpu.memref_slice %arg6[%add3A_20, %dma_start3A_58] : memref<64x24xf32, #tpu.memory_space<hbm>> -> memref<1x24xf32, #tpu.memory_space<hbm>>
      %dma_start3A_60 = tpu.memref_squeeze %dma_start3A_59 : memref<1x24xf32, #tpu.memory_space<hbm>> -> memref<24xf32, #tpu.memory_space<hbm>>
      %dma_start3A_61 = arith.constant 0 : i32
      %dma_start3A_62 = tpu.memref_slice %arg22[%dma_start3A_61] : memref<32xf32, #tpu.memory_space<vmem>> -> memref<24xf32, #tpu.memory_space<vmem>>
      %dma_start3A_63 = arith.constant 0 : i32
      %dma_start3A_64 = tpu.memref_slice %arg6[%add3A_20, %dma_start3A_63] : memref<64x24xf32, #tpu.memory_space<hbm>> -> memref<1x24xf32, #tpu.memory_space<hbm>>
      %dma_start3A_65 = tpu.memref_squeeze %dma_start3A_64 : memref<1x24xf32, #tpu.memory_space<hbm>> -> memref<24xf32, #tpu.memory_space<hbm>>
      tpu.enqueue_dma source(%dma_start3A_65 : memref<24xf32, #tpu.memory_space<hbm>>) target(%dma_start3A_62 : memref<24xf32, #tpu.memory_space<vmem>>) target_semaphore(%run_scoped3A : memref<!tpu.dma_semaphore, #tpu.memory_space<semaphore_mem>>)
      %dma_wait3A = arith.constant 0 : i32
      %dma_wait3A_66 = tpu.memref_slice %arg22[%dma_wait3A] : memref<32xf32, #tpu.memory_space<vmem>> -> memref<24xf32, #tpu.memory_space<vmem>>
      %dma_wait3A_67 = arith.constant 0 : i32
      %dma_wait3A_68 = tpu.memref_slice %arg6[%add3A_20, %dma_wait3A_67] : memref<64x24xf32, #tpu.memory_space<hbm>> -> memref<1x24xf32, #tpu.memory_space<hbm>>
      %dma_wait3A_69 = tpu.memref_squeeze %dma_wait3A_68 : memref<1x24xf32, #tpu.memory_space<hbm>> -> memref<24xf32, #tpu.memory_space<hbm>>
      %dma_wait3A_70 = arith.constant 0 : i32
      %dma_wait3A_71 = tpu.memref_slice %arg22[%dma_wait3A_70] : memref<32xf32, #tpu.memory_space<vmem>> -> memref<24xf32, #tpu.memory_space<vmem>>
      %dma_wait3A_72 = arith.constant 0 : i32
      %dma_wait3A_73 = tpu.memref_slice %arg6[%add3A_20, %dma_wait3A_72] : memref<64x24xf32, #tpu.memory_space<hbm>> -> memref<1x24xf32, #tpu.memory_space<hbm>>
      %dma_wait3A_74 = tpu.memref_squeeze %dma_wait3A_73 : memref<1x24xf32, #tpu.memory_space<hbm>> -> memref<24xf32, #tpu.memory_space<hbm>>
      tpu.wait_dma2 semaphore(%run_scoped3A : memref<!tpu.dma_semaphore, #tpu.memory_space<semaphore_mem>>) src(%dma_wait3A_74 : memref<24xf32, #tpu.memory_space<hbm>>) dst(%dma_wait3A_71 : memref<24xf32, #tpu.memory_space<vmem>>)
      tpu.yield
    }) : () -> ()
    "tpu.region"() ({
      %run_scoped3A = tpu.sem_alloc : memref<!tpu.dma_semaphore, #tpu.memory_space<semaphore_mem>>
      tpu.enqueue_dma source(%arg7 : memref<10112xf32, #tpu.memory_space<hbm>>) target(%arg26 : memref<10112xf32, #tpu.memory_space<vmem>>) target_semaphore(%run_scoped3A : memref<!tpu.dma_semaphore, #tpu.memory_space<semaphore_mem>>)
      tpu.wait_dma2 semaphore(%run_scoped3A : memref<!tpu.dma_semaphore, #tpu.memory_space<semaphore_mem>>) src(%arg7 : memref<10112xf32, #tpu.memory_space<hbm>>) dst(%arg26 : memref<10112xf32, #tpu.memory_space<vmem>>)
      tpu.yield
    }) : () -> ()
    %get3A = arith.constant 0 : index
    %get3A_21 = tpu.vector_load %arg19[%get3A] {strides = array<i32>} : memref<32xf32, #tpu.memory_space<vmem>>, vector<16xf32>,
    %get3A_22 = arith.constant 0 : index
    %get3A_23 = tpu.vector_load %arg20[%get3A_22] {strides = array<i32>} : memref<32xf32, #tpu.memory_space<vmem>>, vector<16xf32>,
    %get3A_24 = arith.constant 0 : index
    %get3A_25 = tpu.vector_load %arg21[%get3A_24] {strides = array<i32>} : memref<32xf32, #tpu.memory_space<vmem>>, vector<16xf32>,
    %get3A_26 = arith.constant 0 : index
    %get3A_27 = tpu.vector_load %arg22[%get3A_26] {strides = array<i32>} : memref<32xf32, #tpu.memory_space<vmem>>, vector<16xf32>,
    %get3A_28 = arith.constant 16 : index
    %get3A_29 = tpu.vector_load %arg19[%get3A_28] {strides = array<i32>} : memref<32xf32, #tpu.memory_space<vmem>>, vector<16xf32>,
    %get3A_30 = arith.constant 16 : index
    %get3A_31 = tpu.vector_load %arg20[%get3A_30] {strides = array<i32>} : memref<32xf32, #tpu.memory_space<vmem>>, vector<16xf32>,
    %get3A_32 = arith.constant 16 : index
    %get3A_33 = tpu.vector_load %arg21[%get3A_32] {strides = array<i32>} : memref<32xf32, #tpu.memory_space<vmem>>, vector<16xf32>,
    %get3A_34 = arith.constant 16 : index
    %get3A_35 = tpu.vector_load %arg22[%get3A_34] {strides = array<i32>} : memref<32xf32, #tpu.memory_space<vmem>>, vector<16xf32>,
    %add3A_36 = arith.constant 0 : i32
    %add3A_37 = arith.addi %mul3A_4, %add3A_36 : i32
    %dma_start3A = tpu.memref_slice %arg2[%add3A_37] : memref<663552xi32, #tpu.memory_space<hbm>> -> memref<3072xi32, #tpu.memory_space<hbm>>
    %dma_start3A_38 = tpu.memref_slice %arg2[%add3A_37] : memref<663552xi32, #tpu.memory_space<hbm>> -> memref<3072xi32, #tpu.memory_space<hbm>>
    tpu.enqueue_dma source(%dma_start3A_38 : memref<3072xi32, #tpu.memory_space<hbm>>) target(%arg9 : memref<3072xi32, #tpu.memory_space<vmem>>) target_semaphore(%arg27 : memref<!tpu.dma_semaphore, #tpu.memory_space<semaphore_mem>>)
    %dma_start3A_39 = tpu.memref_slice %arg3[%add3A_37] : memref<663552xi32, #tpu.memory_space<hbm>> -> memref<3072xi32, #tpu.memory_space<hbm>>
    %dma_start3A_40 = tpu.memref_slice %arg3[%add3A_37] : memref<663552xi32, #tpu.memory_space<hbm>> -> memref<3072xi32, #tpu.memory_space<hbm>>
    tpu.enqueue_dma source(%dma_start3A_40 : memref<3072xi32, #tpu.memory_space<hbm>>) target(%arg11 : memref<3072xi32, #tpu.memory_space<vmem>>) target_semaphore(%arg27 : memref<!tpu.dma_semaphore, #tpu.memory_space<semaphore_mem>>)
    %dma_start3A_41 = tpu.memref_slice %arg4[%add3A_37] : memref<663552xi32, #tpu.memory_space<hbm>> -> memref<3072xi32, #tpu.memory_space<hbm>>
    %dma_start3A_42 = tpu.memref_slice %arg4[%add3A_37] : memref<663552xi32, #tpu.memory_space<hbm>> -> memref<3072xi32, #tpu.memory_space<hbm>>
    tpu.enqueue_dma source(%dma_start3A_42 : memref<3072xi32, #tpu.memory_space<hbm>>) target(%arg13 : memref<3072xi32, #tpu.memory_space<vmem>>) target_semaphore(%arg27 : memref<!tpu.dma_semaphore, #tpu.memory_space<semaphore_mem>>)
    %scan3A = arith.constant 0 : i32
    %scan3A_43 = arith.constant 0 : i32
    %scan3A_44 = arith.constant 54 : i32
    %scan3A_45 = arith.addi %scan3A_43, %scan3A_44 : i32
    %scan3A_46 = arith.constant 1 : i32
    scf.for %scan3A_56 = %scan3A_43 to %scan3A_45 step %scan3A_46  : i32 {
      %mul3A_57 = arith.constant 2 : i32
      %mul3A_58 = arith.muli %scan3A_56, %mul3A_57 : i32
      %add3A_59 = arith.constant 0 : i32
      %add3A_60 = arith.addi %mul3A_58, %add3A_59 : i32
      %add3A_61 = arith.constant 1 : i32
      %add3A_62 = arith.addi %add3A_60, %add3A_61 : i32
      %lt3A = arith.constant 108 : i32
      %lt3A_63 = arith.cmpi slt, %add3A_62, %lt3A : i32
      %convert_element_type3A = arith.extui %lt3A_63 : i1 to i32
      %cond3A = arith.constant 0 : i32
      %cond3A_64 = arith.cmpi ne, %convert_element_type3A, %cond3A : i32
      scf.if %cond3A_64 {
        %add3A_98 = arith.constant 1 : i32
        %add3A_99 = arith.addi %add3A_60, %add3A_98 : i32
        %mul3A_100 = arith.constant 3072 : i32
        %mul3A_101 = arith.muli %add3A_99, %mul3A_100 : i32
        %add3A_102 = arith.addi %mul3A_4, %mul3A_101 : i32
        %dma_start3A_103 = tpu.memref_slice %arg2[%add3A_102] : memref<663552xi32, #tpu.memory_space<hbm>> -> memref<3072xi32, #tpu.memory_space<hbm>>
        %dma_start3A_104 = tpu.memref_slice %arg2[%add3A_102] : memref<663552xi32, #tpu.memory_space<hbm>> -> memref<3072xi32, #tpu.memory_space<hbm>>
        tpu.enqueue_dma source(%dma_start3A_104 : memref<3072xi32, #tpu.memory_space<hbm>>) target(%arg10 : memref<3072xi32, #tpu.memory_space<vmem>>) target_semaphore(%arg28 : memref<!tpu.dma_semaphore, #tpu.memory_space<semaphore_mem>>)
        %dma_start3A_105 = tpu.memref_slice %arg3[%add3A_102] : memref<663552xi32, #tpu.memory_space<hbm>> -> memref<3072xi32, #tpu.memory_space<hbm>>
        %dma_start3A_106 = tpu.memref_slice %arg3[%add3A_102] : memref<663552xi32, #tpu.memory_space<hbm>> -> memref<3072xi32, #tpu.memory_space<hbm>>
        tpu.enqueue_dma source(%dma_start3A_106 : memref<3072xi32, #tpu.memory_space<hbm>>) target(%arg12 : memref<3072xi32, #tpu.memory_space<vmem>>) target_semaphore(%arg28 : memref<!tpu.dma_semaphore, #tpu.memory_space<semaphore_mem>>)
        %dma_start3A_107 = tpu.memref_slice %arg4[%add3A_102] : memref<663552xi32, #tpu.memory_space<hbm>> -> memref<3072xi32, #tpu.memory_space<hbm>>
        %dma_start3A_108 = tpu.memref_slice %arg4[%add3A_102] : memref<663552xi32, #tpu.memory_space<hbm>> -> memref<3072xi32, #tpu.memory_space<hbm>>
        tpu.enqueue_dma source(%dma_start3A_108 : memref<3072xi32, #tpu.memory_space<hbm>>) target(%arg14 : memref<3072xi32, #tpu.memory_space<vmem>>) target_semaphore(%arg28 : memref<!tpu.dma_semaphore, #tpu.memory_space<semaphore_mem>>)
      } else {
      }
      %mul3A_65 = arith.constant 3072 : i32
      %mul3A_66 = arith.muli %add3A_60, %mul3A_65 : i32
      %add3A_67 = arith.addi %mul3A_4, %mul3A_66 : i32
      %dma_wait3A = tpu.memref_slice %arg2[%add3A_67] : memref<663552xi32, #tpu.memory_space<hbm>> -> memref<3072xi32, #tpu.memory_space<hbm>>
      %dma_wait3A_68 = tpu.memref_slice %arg2[%add3A_67] : memref<663552xi32, #tpu.memory_space<hbm>> -> memref<3072xi32, #tpu.memory_space<hbm>>
      tpu.wait_dma2 semaphore(%arg27 : memref<!tpu.dma_semaphore, #tpu.memory_space<semaphore_mem>>) src(%dma_wait3A_68 : memref<3072xi32, #tpu.memory_space<hbm>>) dst(%arg9 : memref<3072xi32, #tpu.memory_space<vmem>>)
      %dma_wait3A_69 = tpu.memref_slice %arg3[%add3A_67] : memref<663552xi32, #tpu.memory_space<hbm>> -> memref<3072xi32, #tpu.memory_space<hbm>>
      %dma_wait3A_70 = tpu.memref_slice %arg3[%add3A_67] : memref<663552xi32, #tpu.memory_space<hbm>> -> memref<3072xi32, #tpu.memory_space<hbm>>
      tpu.wait_dma2 semaphore(%arg27 : memref<!tpu.dma_semaphore, #tpu.memory_space<semaphore_mem>>) src(%dma_wait3A_70 : memref<3072xi32, #tpu.memory_space<hbm>>) dst(%arg11 : memref<3072xi32, #tpu.memory_space<vmem>>)
      %dma_wait3A_71 = tpu.memref_slice %arg4[%add3A_67] : memref<663552xi32, #tpu.memory_space<hbm>> -> memref<3072xi32, #tpu.memory_space<hbm>>
      %dma_wait3A_72 = tpu.memref_slice %arg4[%add3A_67] : memref<663552xi32, #tpu.memory_space<hbm>> -> memref<3072xi32, #tpu.memory_space<hbm>>
      tpu.wait_dma2 semaphore(%arg27 : memref<!tpu.dma_semaphore, #tpu.memory_space<semaphore_mem>>) src(%dma_wait3A_72 : memref<3072xi32, #tpu.memory_space<hbm>>) dst(%arg13 : memref<3072xi32, #tpu.memory_space<vmem>>)
      %parallel_loop3A = arith.constant 0 : i32
      %parallel_loop3A_73 = arith.constant 192 : i32
      %parallel_loop3A_74 = arith.constant 1 : i32
      scf.for %parallel_loop3A_98 = %parallel_loop3A to %parallel_loop3A_73 step %parallel_loop3A_74  : i32 {
        %parallel_loop3A_99 = arith.constant 16 : i32
        %parallel_loop3A_100 = arith.muli %parallel_loop3A_98, %parallel_loop3A_99 : i32
        %parallel_loop3A_101 = arith.index_cast %parallel_loop3A_100 : i32 to index
        %parallel_loop3A_102 = tpu.vector_load %arg9[%parallel_loop3A_101] {strides = array<i32>} : memref<3072xi32, #tpu.memory_space<vmem>>, vector<16xi32>,
        %parallel_loop3A_103 = arith.index_cast %parallel_loop3A_100 : i32 to index
        %parallel_loop3A_104 = tpu.vector_load %arg11[%parallel_loop3A_103] {strides = array<i32>} : memref<3072xi32, #tpu.memory_space<vmem>>, vector<16xi32>,
        %parallel_loop3A_105 = arith.index_cast %parallel_loop3A_100 : i32 to index
        %parallel_loop3A_106 = tpu.vector_load %arg13[%parallel_loop3A_105] {strides = array<i32>} : memref<3072xi32, #tpu.memory_space<vmem>>, vector<16xi32>,
        %parallel_loop3A_107 = tpu.vector_load_idx %arg15[%parallel_loop3A_102] : memref<10112xf32, #tpu.memory_space<vmem>>[vector<16xi32>], vector<16xf32>,
        %parallel_loop3A_108 = tpu.vector_load_idx %arg16[%parallel_loop3A_102] : memref<10112xf32, #tpu.memory_space<vmem>>[vector<16xi32>], vector<16xf32>,
        %parallel_loop3A_109 = tpu.vector_load_idx %arg17[%parallel_loop3A_102] : memref<10112xf32, #tpu.memory_space<vmem>>[vector<16xi32>], vector<16xf32>,
        %parallel_loop3A_110 = tpu.vector_load_idx %arg18[%parallel_loop3A_102] : memref<10112xf32, #tpu.memory_space<vmem>>[vector<16xi32>], vector<16xf32>,
        %parallel_loop3A_111 = arith.constant 15 : i32
        %parallel_loop3A_112 = vector.broadcast %parallel_loop3A_111 : i32 to vector<16xi32>
        %parallel_loop3A_113 = arith.andi %parallel_loop3A_106, %parallel_loop3A_112 : vector<16xi32>
        %parallel_loop3A_114 = arith.constant 16 : i32
        %parallel_loop3A_115 = vector.broadcast %parallel_loop3A_114 : i32 to vector<16xi32>
        %parallel_loop3A_116 = arith.cmpi slt, %parallel_loop3A_106, %parallel_loop3A_115 : vector<16xi32>
        %parallel_loop3A_117 = arith.constant 0 : i32
        %parallel_loop3A_118 = vector.broadcast %parallel_loop3A_117 : i32 to vector<16xi32>
        %parallel_loop3A_119 = arith.cmpi slt, %parallel_loop3A_113, %parallel_loop3A_118 : vector<16xi32>
        %parallel_loop3A_120 = arith.constant 16 : i32
        %parallel_loop3A_121 = vector.broadcast %parallel_loop3A_120 : i32 to vector<16xi32>
        %parallel_loop3A_122 = arith.addi %parallel_loop3A_113, %parallel_loop3A_121 : vector<16xi32>
        %parallel_loop3A_123 = arith.select %parallel_loop3A_119, %parallel_loop3A_122, %parallel_loop3A_113 : vector<16xi1>, vector<16xi32>
        %parallel_loop3A_124 = vector.shape_cast %parallel_loop3A_123 : vector<16xi32> to vector<16x1xi32>
        %parallel_loop3A_125 = vector.shape_cast %parallel_loop3A_124 : vector<16x1xi32> to vector<16xi32>
        %parallel_loop3A_126 = tpu.dynamic_gather %get3A_21[%parallel_loop3A_125] in [0] : vector<16xf32>, vector<16xi32> -> vector<16xf32>
        %parallel_loop3A_127 = arith.constant 0 : i32
        %parallel_loop3A_128 = vector.broadcast %parallel_loop3A_127 : i32 to vector<16xi32>
        %parallel_loop3A_129 = arith.cmpi slt, %parallel_loop3A_113, %parallel_loop3A_128 : vector<16xi32>
        %parallel_loop3A_130 = arith.constant 16 : i32
        %parallel_loop3A_131 = vector.broadcast %parallel_loop3A_130 : i32 to vector<16xi32>
        %parallel_loop3A_132 = arith.addi %parallel_loop3A_113, %parallel_loop3A_131 : vector<16xi32>
        %parallel_loop3A_133 = arith.select %parallel_loop3A_129, %parallel_loop3A_132, %parallel_loop3A_113 : vector<16xi1>, vector<16xi32>
        %parallel_loop3A_134 = vector.shape_cast %parallel_loop3A_133 : vector<16xi32> to vector<16x1xi32>
        %parallel_loop3A_135 = vector.shape_cast %parallel_loop3A_134 : vector<16x1xi32> to vector<16xi32>
        %parallel_loop3A_136 = tpu.dynamic_gather %get3A_29[%parallel_loop3A_135] in [0] : vector<16xf32>, vector<16xi32> -> vector<16xf32>
        %parallel_loop3A_137 = arith.select %parallel_loop3A_116, %parallel_loop3A_126, %parallel_loop3A_136 : vector<16xi1>, vector<16xf32>
        %parallel_loop3A_138 = arith.mulf %parallel_loop3A_107, %parallel_loop3A_137 : vector<16xf32>
        tpu.vector_store_idx %arg23[%parallel_loop3A_104], %parallel_loop3A_138 {add = true} : memref<10112xf32, #tpu.memory_space<vmem>>[vector<16xi32>], vector<16xf32>,
        %parallel_loop3A_139 = arith.constant 0 : i32
        %parallel_loop3A_140 = vector.broadcast %parallel_loop3A_139 : i32 to vector<16xi32>
        %parallel_loop3A_141 = arith.cmpi slt, %parallel_loop3A_113, %parallel_loop3A_140 : vector<16xi32>
        %parallel_loop3A_142 = arith.constant 16 : i32
        %parallel_loop3A_143 = vector.broadcast %parallel_loop3A_142 : i32 to vector<16xi32>
        %parallel_loop3A_144 = arith.addi %parallel_loop3A_113, %parallel_loop3A_143 : vector<16xi32>
        %parallel_loop3A_145 = arith.select %parallel_loop3A_141, %parallel_loop3A_144, %parallel_loop3A_113 : vector<16xi1>, vector<16xi32>
        %parallel_loop3A_146 = vector.shape_cast %parallel_loop3A_145 : vector<16xi32> to vector<16x1xi32>
        %parallel_loop3A_147 = vector.shape_cast %parallel_loop3A_146 : vector<16x1xi32> to vector<16xi32>
        %parallel_loop3A_148 = tpu.dynamic_gather %get3A_23[%parallel_loop3A_147] in [0] : vector<16xf32>, vector<16xi32> -> vector<16xf32>
        %parallel_loop3A_149 = arith.constant 0 : i32
        %parallel_loop3A_150 = vector.broadcast %parallel_loop3A_149 : i32 to vector<16xi32>
        %parallel_loop3A_151 = arith.cmpi slt, %parallel_loop3A_113, %parallel_loop3A_150 : vector<16xi32>
        %parallel_loop3A_152 = arith.constant 16 : i32
        %parallel_loop3A_153 = vector.broadcast %parallel_loop3A_152 : i32 to vector<16xi32>
        %parallel_loop3A_154 = arith.addi %parallel_loop3A_113, %parallel_loop3A_153 : vector<16xi32>
        %parallel_loop3A_155 = arith.select %parallel_loop3A_151, %parallel_loop3A_154, %parallel_loop3A_113 : vector<16xi1>, vector<16xi32>
        %parallel_loop3A_156 = vector.shape_cast %parallel_loop3A_155 : vector<16xi32> to vector<16x1xi32>
        %parallel_loop3A_157 = vector.shape_cast %parallel_loop3A_156 : vector<16x1xi32> to vector<16xi32>
        %parallel_loop3A_158 = tpu.dynamic_gather %get3A_31[%parallel_loop3A_157] in [0] : vector<16xf32>, vector<16xi32> -> vector<16xf32>
        %parallel_loop3A_159 = arith.select %parallel_loop3A_116, %parallel_loop3A_148, %parallel_loop3A_158 : vector<16xi1>, vector<16xf32>
        %parallel_loop3A_160 = arith.mulf %parallel_loop3A_108, %parallel_loop3A_159 : vector<16xf32>
        tpu.vector_store_idx %arg24[%parallel_loop3A_104], %parallel_loop3A_160 {add = true} : memref<10112xf32, #tpu.memory_space<vmem>>[vector<16xi32>], vector<16xf32>,
        %parallel_loop3A_161 = arith.constant 0 : i32
        %parallel_loop3A_162 = vector.broadcast %parallel_loop3A_161 : i32 to vector<16xi32>
        %parallel_loop3A_163 = arith.cmpi slt, %parallel_loop3A_113, %parallel_loop3A_162 : vector<16xi32>
        %parallel_loop3A_164 = arith.constant 16 : i32
        %parallel_loop3A_165 = vector.broadcast %parallel_loop3A_164 : i32 to vector<16xi32>
        %parallel_loop3A_166 = arith.addi %parallel_loop3A_113, %parallel_loop3A_165 : vector<16xi32>
        %parallel_loop3A_167 = arith.select %parallel_loop3A_163, %parallel_loop3A_166, %parallel_loop3A_113 : vector<16xi1>, vector<16xi32>
        %parallel_loop3A_168 = vector.shape_cast %parallel_loop3A_167 : vector<16xi32> to vector<16x1xi32>
        %parallel_loop3A_169 = vector.shape_cast %parallel_loop3A_168 : vector<16x1xi32> to vector<16xi32>
        %parallel_loop3A_170 = tpu.dynamic_gather %get3A_25[%parallel_loop3A_169] in [0] : vector<16xf32>, vector<16xi32> -> vector<16xf32>
        %parallel_loop3A_171 = arith.constant 0 : i32
        %parallel_loop3A_172 = vector.broadcast %parallel_loop3A_171 : i32 to vector<16xi32>
        %parallel_loop3A_173 = arith.cmpi slt, %parallel_loop3A_113, %parallel_loop3A_172 : vector<16xi32>
        %parallel_loop3A_174 = arith.constant 16 : i32
        %parallel_loop3A_175 = vector.broadcast %parallel_loop3A_174 : i32 to vector<16xi32>
        %parallel_loop3A_176 = arith.addi %parallel_loop3A_113, %parallel_loop3A_175 : vector<16xi32>
        %parallel_loop3A_177 = arith.select %parallel_loop3A_173, %parallel_loop3A_176, %parallel_loop3A_113 : vector<16xi1>, vector<16xi32>
        %parallel_loop3A_178 = vector.shape_cast %parallel_loop3A_177 : vector<16xi32> to vector<16x1xi32>
        %parallel_loop3A_179 = vector.shape_cast %parallel_loop3A_178 : vector<16x1xi32> to vector<16xi32>
        %parallel_loop3A_180 = tpu.dynamic_gather %get3A_33[%parallel_loop3A_179] in [0] : vector<16xf32>, vector<16xi32> -> vector<16xf32>
        %parallel_loop3A_181 = arith.select %parallel_loop3A_116, %parallel_loop3A_170, %parallel_loop3A_180 : vector<16xi1>, vector<16xf32>
        %parallel_loop3A_182 = arith.mulf %parallel_loop3A_109, %parallel_loop3A_181 : vector<16xf32>
        tpu.vector_store_idx %arg25[%parallel_loop3A_104], %parallel_loop3A_182 {add = true} : memref<10112xf32, #tpu.memory_space<vmem>>[vector<16xi32>], vector<16xf32>,
        %parallel_loop3A_183 = arith.constant 0 : i32
        %parallel_loop3A_184 = vector.broadcast %parallel_loop3A_183 : i32 to vector<16xi32>
        %parallel_loop3A_185 = arith.cmpi slt, %parallel_loop3A_113, %parallel_loop3A_184 : vector<16xi32>
        %parallel_loop3A_186 = arith.constant 16 : i32
        %parallel_loop3A_187 = vector.broadcast %parallel_loop3A_186 : i32 to vector<16xi32>
        %parallel_loop3A_188 = arith.addi %parallel_loop3A_113, %parallel_loop3A_187 : vector<16xi32>
        %parallel_loop3A_189 = arith.select %parallel_loop3A_185, %parallel_loop3A_188, %parallel_loop3A_113 : vector<16xi1>, vector<16xi32>
        %parallel_loop3A_190 = vector.shape_cast %parallel_loop3A_189 : vector<16xi32> to vector<16x1xi32>
        %parallel_loop3A_191 = vector.shape_cast %parallel_loop3A_190 : vector<16x1xi32> to vector<16xi32>
        %parallel_loop3A_192 = tpu.dynamic_gather %get3A_27[%parallel_loop3A_191] in [0] : vector<16xf32>, vector<16xi32> -> vector<16xf32>
        %parallel_loop3A_193 = arith.constant 0 : i32
        %parallel_loop3A_194 = vector.broadcast %parallel_loop3A_193 : i32 to vector<16xi32>
        %parallel_loop3A_195 = arith.cmpi slt, %parallel_loop3A_113, %parallel_loop3A_194 : vector<16xi32>
        %parallel_loop3A_196 = arith.constant 16 : i32
        %parallel_loop3A_197 = vector.broadcast %parallel_loop3A_196 : i32 to vector<16xi32>
        %parallel_loop3A_198 = arith.addi %parallel_loop3A_113, %parallel_loop3A_197 : vector<16xi32>
        %parallel_loop3A_199 = arith.select %parallel_loop3A_195, %parallel_loop3A_198, %parallel_loop3A_113 : vector<16xi1>, vector<16xi32>
        %parallel_loop3A_200 = vector.shape_cast %parallel_loop3A_199 : vector<16xi32> to vector<16x1xi32>
        %parallel_loop3A_201 = vector.shape_cast %parallel_loop3A_200 : vector<16x1xi32> to vector<16xi32>
        %parallel_loop3A_202 = tpu.dynamic_gather %get3A_35[%parallel_loop3A_201] in [0] : vector<16xf32>, vector<16xi32> -> vector<16xf32>
        %parallel_loop3A_203 = arith.select %parallel_loop3A_116, %parallel_loop3A_192, %parallel_loop3A_202 : vector<16xi1>, vector<16xf32>
        %parallel_loop3A_204 = arith.mulf %parallel_loop3A_110, %parallel_loop3A_203 : vector<16xf32>
        tpu.vector_store_idx %arg26[%parallel_loop3A_104], %parallel_loop3A_204 {add = true} : memref<10112xf32, #tpu.memory_space<vmem>>[vector<16xi32>], vector<16xf32>,
      } {sc.loop_unroll_factor = 4 : i64, sc.parallel_access}
      %mul3A_75 = arith.constant 2 : i32
      %mul3A_76 = arith.muli %scan3A_56, %mul3A_75 : i32
      %add3A_77 = arith.constant 1 : i32
      %add3A_78 = arith.addi %mul3A_76, %add3A_77 : i32
      %add3A_79 = arith.constant 1 : i32
      %add3A_80 = arith.addi %add3A_78, %add3A_79 : i32
      %lt3A_81 = arith.constant 108 : i32
      %lt3A_82 = arith.cmpi slt, %add3A_80, %lt3A_81 : i32
      %convert_element_type3A_83 = arith.extui %lt3A_82 : i1 to i32
      %cond3A_84 = arith.constant 0 : i32
      %cond3A_85 = arith.cmpi ne, %convert_element_type3A_83, %cond3A_84 : i32
      scf.if %cond3A_85 {
        %add3A_98 = arith.constant 1 : i32
        %add3A_99 = arith.addi %add3A_78, %add3A_98 : i32
        %mul3A_100 = arith.constant 3072 : i32
        %mul3A_101 = arith.muli %add3A_99, %mul3A_100 : i32
        %add3A_102 = arith.addi %mul3A_4, %mul3A_101 : i32
        %dma_start3A_103 = tpu.memref_slice %arg2[%add3A_102] : memref<663552xi32, #tpu.memory_space<hbm>> -> memref<3072xi32, #tpu.memory_space<hbm>>
        %dma_start3A_104 = tpu.memref_slice %arg2[%add3A_102] : memref<663552xi32, #tpu.memory_space<hbm>> -> memref<3072xi32, #tpu.memory_space<hbm>>
        tpu.enqueue_dma source(%dma_start3A_104 : memref<3072xi32, #tpu.memory_space<hbm>>) target(%arg9 : memref<3072xi32, #tpu.memory_space<vmem>>) target_semaphore(%arg27 : memref<!tpu.dma_semaphore, #tpu.memory_space<semaphore_mem>>)
        %dma_start3A_105 = tpu.memref_slice %arg3[%add3A_102] : memref<663552xi32, #tpu.memory_space<hbm>> -> memref<3072xi32, #tpu.memory_space<hbm>>
        %dma_start3A_106 = tpu.memref_slice %arg3[%add3A_102] : memref<663552xi32, #tpu.memory_space<hbm>> -> memref<3072xi32, #tpu.memory_space<hbm>>
        tpu.enqueue_dma source(%dma_start3A_106 : memref<3072xi32, #tpu.memory_space<hbm>>) target(%arg11 : memref<3072xi32, #tpu.memory_space<vmem>>) target_semaphore(%arg27 : memref<!tpu.dma_semaphore, #tpu.memory_space<semaphore_mem>>)
        %dma_start3A_107 = tpu.memref_slice %arg4[%add3A_102] : memref<663552xi32, #tpu.memory_space<hbm>> -> memref<3072xi32, #tpu.memory_space<hbm>>
        %dma_start3A_108 = tpu.memref_slice %arg4[%add3A_102] : memref<663552xi32, #tpu.memory_space<hbm>> -> memref<3072xi32, #tpu.memory_space<hbm>>
        tpu.enqueue_dma source(%dma_start3A_108 : memref<3072xi32, #tpu.memory_space<hbm>>) target(%arg13 : memref<3072xi32, #tpu.memory_space<vmem>>) target_semaphore(%arg27 : memref<!tpu.dma_semaphore, #tpu.memory_space<semaphore_mem>>)
      } else {
      }
      %mul3A_86 = arith.constant 3072 : i32
      %mul3A_87 = arith.muli %add3A_78, %mul3A_86 : i32
      %add3A_88 = arith.addi %mul3A_4, %mul3A_87 : i32
      %dma_wait3A_89 = tpu.memref_slice %arg2[%add3A_88] : memref<663552xi32, #tpu.memory_space<hbm>> -> memref<3072xi32, #tpu.memory_space<hbm>>
      %dma_wait3A_90 = tpu.memref_slice %arg2[%add3A_88] : memref<663552xi32, #tpu.memory_space<hbm>> -> memref<3072xi32, #tpu.memory_space<hbm>>
      tpu.wait_dma2 semaphore(%arg28 : memref<!tpu.dma_semaphore, #tpu.memory_space<semaphore_mem>>) src(%dma_wait3A_90 : memref<3072xi32, #tpu.memory_space<hbm>>) dst(%arg10 : memref<3072xi32, #tpu.memory_space<vmem>>)
      %dma_wait3A_91 = tpu.memref_slice %arg3[%add3A_88] : memref<663552xi32, #tpu.memory_space<hbm>> -> memref<3072xi32, #tpu.memory_space<hbm>>
      %dma_wait3A_92 = tpu.memref_slice %arg3[%add3A_88] : memref<663552xi32, #tpu.memory_space<hbm>> -> memref<3072xi32, #tpu.memory_space<hbm>>
      tpu.wait_dma2 semaphore(%arg28 : memref<!tpu.dma_semaphore, #tpu.memory_space<semaphore_mem>>) src(%dma_wait3A_92 : memref<3072xi32, #tpu.memory_space<hbm>>) dst(%arg12 : memref<3072xi32, #tpu.memory_space<vmem>>)
      %dma_wait3A_93 = tpu.memref_slice %arg4[%add3A_88] : memref<663552xi32, #tpu.memory_space<hbm>> -> memref<3072xi32, #tpu.memory_space<hbm>>
      %dma_wait3A_94 = tpu.memref_slice %arg4[%add3A_88] : memref<663552xi32, #tpu.memory_space<hbm>> -> memref<3072xi32, #tpu.memory_space<hbm>>
      tpu.wait_dma2 semaphore(%arg28 : memref<!tpu.dma_semaphore, #tpu.memory_space<semaphore_mem>>) src(%dma_wait3A_94 : memref<3072xi32, #tpu.memory_space<hbm>>) dst(%arg14 : memref<3072xi32, #tpu.memory_space<vmem>>)
      %parallel_loop3A_95 = arith.constant 0 : i32
      %parallel_loop3A_96 = arith.constant 192 : i32
      %parallel_loop3A_97 = arith.constant 1 : i32
      scf.for %parallel_loop3A_98 = %parallel_loop3A_95 to %parallel_loop3A_96 step %parallel_loop3A_97  : i32 {
        %parallel_loop3A_99 = arith.constant 16 : i32
        %parallel_loop3A_100 = arith.muli %parallel_loop3A_98, %parallel_loop3A_99 : i32
        %parallel_loop3A_101 = arith.index_cast %parallel_loop3A_100 : i32 to index
        %parallel_loop3A_102 = tpu.vector_load %arg10[%parallel_loop3A_101] {strides = array<i32>} : memref<3072xi32, #tpu.memory_space<vmem>>, vector<16xi32>,
        %parallel_loop3A_103 = arith.index_cast %parallel_loop3A_100 : i32 to index
        %parallel_loop3A_104 = tpu.vector_load %arg12[%parallel_loop3A_103] {strides = array<i32>} : memref<3072xi32, #tpu.memory_space<vmem>>, vector<16xi32>,
        %parallel_loop3A_105 = arith.index_cast %parallel_loop3A_100 : i32 to index
        %parallel_loop3A_106 = tpu.vector_load %arg14[%parallel_loop3A_105] {strides = array<i32>} : memref<3072xi32, #tpu.memory_space<vmem>>, vector<16xi32>,
        %parallel_loop3A_107 = tpu.vector_load_idx %arg15[%parallel_loop3A_102] : memref<10112xf32, #tpu.memory_space<vmem>>[vector<16xi32>], vector<16xf32>,
        %parallel_loop3A_108 = tpu.vector_load_idx %arg16[%parallel_loop3A_102] : memref<10112xf32, #tpu.memory_space<vmem>>[vector<16xi32>], vector<16xf32>,
        %parallel_loop3A_109 = tpu.vector_load_idx %arg17[%parallel_loop3A_102] : memref<10112xf32, #tpu.memory_space<vmem>>[vector<16xi32>], vector<16xf32>,
        %parallel_loop3A_110 = tpu.vector_load_idx %arg18[%parallel_loop3A_102] : memref<10112xf32, #tpu.memory_space<vmem>>[vector<16xi32>], vector<16xf32>,
        %parallel_loop3A_111 = arith.constant 15 : i32
        %parallel_loop3A_112 = vector.broadcast %parallel_loop3A_111 : i32 to vector<16xi32>
        %parallel_loop3A_113 = arith.andi %parallel_loop3A_106, %parallel_loop3A_112 : vector<16xi32>
        %parallel_loop3A_114 = arith.constant 16 : i32
        %parallel_loop3A_115 = vector.broadcast %parallel_loop3A_114 : i32 to vector<16xi32>
        %parallel_loop3A_116 = arith.cmpi slt, %parallel_loop3A_106, %parallel_loop3A_115 : vector<16xi32>
        %parallel_loop3A_117 = arith.constant 0 : i32
        %parallel_loop3A_118 = vector.broadcast %parallel_loop3A_117 : i32 to vector<16xi32>
        %parallel_loop3A_119 = arith.cmpi slt, %parallel_loop3A_113, %parallel_loop3A_118 : vector<16xi32>
        %parallel_loop3A_120 = arith.constant 16 : i32
        %parallel_loop3A_121 = vector.broadcast %parallel_loop3A_120 : i32 to vector<16xi32>
        %parallel_loop3A_122 = arith.addi %parallel_loop3A_113, %parallel_loop3A_121 : vector<16xi32>
        %parallel_loop3A_123 = arith.select %parallel_loop3A_119, %parallel_loop3A_122, %parallel_loop3A_113 : vector<16xi1>, vector<16xi32>
        %parallel_loop3A_124 = vector.shape_cast %parallel_loop3A_123 : vector<16xi32> to vector<16x1xi32>
        %parallel_loop3A_125 = vector.shape_cast %parallel_loop3A_124 : vector<16x1xi32> to vector<16xi32>
        %parallel_loop3A_126 = tpu.dynamic_gather %get3A_21[%parallel_loop3A_125] in [0] : vector<16xf32>, vector<16xi32> -> vector<16xf32>
        %parallel_loop3A_127 = arith.constant 0 : i32
        %parallel_loop3A_128 = vector.broadcast %parallel_loop3A_127 : i32 to vector<16xi32>
        %parallel_loop3A_129 = arith.cmpi slt, %parallel_loop3A_113, %parallel_loop3A_128 : vector<16xi32>
        %parallel_loop3A_130 = arith.constant 16 : i32
        %parallel_loop3A_131 = vector.broadcast %parallel_loop3A_130 : i32 to vector<16xi32>
        %parallel_loop3A_132 = arith.addi %parallel_loop3A_113, %parallel_loop3A_131 : vector<16xi32>
        %parallel_loop3A_133 = arith.select %parallel_loop3A_129, %parallel_loop3A_132, %parallel_loop3A_113 : vector<16xi1>, vector<16xi32>
        %parallel_loop3A_134 = vector.shape_cast %parallel_loop3A_133 : vector<16xi32> to vector<16x1xi32>
        %parallel_loop3A_135 = vector.shape_cast %parallel_loop3A_134 : vector<16x1xi32> to vector<16xi32>
        %parallel_loop3A_136 = tpu.dynamic_gather %get3A_29[%parallel_loop3A_135] in [0] : vector<16xf32>, vector<16xi32> -> vector<16xf32>
        %parallel_loop3A_137 = arith.select %parallel_loop3A_116, %parallel_loop3A_126, %parallel_loop3A_136 : vector<16xi1>, vector<16xf32>
        %parallel_loop3A_138 = arith.mulf %parallel_loop3A_107, %parallel_loop3A_137 : vector<16xf32>
        tpu.vector_store_idx %arg23[%parallel_loop3A_104], %parallel_loop3A_138 {add = true} : memref<10112xf32, #tpu.memory_space<vmem>>[vector<16xi32>], vector<16xf32>,
        %parallel_loop3A_139 = arith.constant 0 : i32
        %parallel_loop3A_140 = vector.broadcast %parallel_loop3A_139 : i32 to vector<16xi32>
        %parallel_loop3A_141 = arith.cmpi slt, %parallel_loop3A_113, %parallel_loop3A_140 : vector<16xi32>
        %parallel_loop3A_142 = arith.constant 16 : i32
        %parallel_loop3A_143 = vector.broadcast %parallel_loop3A_142 : i32 to vector<16xi32>
        %parallel_loop3A_144 = arith.addi %parallel_loop3A_113, %parallel_loop3A_143 : vector<16xi32>
        %parallel_loop3A_145 = arith.select %parallel_loop3A_141, %parallel_loop3A_144, %parallel_loop3A_113 : vector<16xi1>, vector<16xi32>
        %parallel_loop3A_146 = vector.shape_cast %parallel_loop3A_145 : vector<16xi32> to vector<16x1xi32>
        %parallel_loop3A_147 = vector.shape_cast %parallel_loop3A_146 : vector<16x1xi32> to vector<16xi32>
        %parallel_loop3A_148 = tpu.dynamic_gather %get3A_23[%parallel_loop3A_147] in [0] : vector<16xf32>, vector<16xi32> -> vector<16xf32>
        %parallel_loop3A_149 = arith.constant 0 : i32
        %parallel_loop3A_150 = vector.broadcast %parallel_loop3A_149 : i32 to vector<16xi32>
        %parallel_loop3A_151 = arith.cmpi slt, %parallel_loop3A_113, %parallel_loop3A_150 : vector<16xi32>
        %parallel_loop3A_152 = arith.constant 16 : i32
        %parallel_loop3A_153 = vector.broadcast %parallel_loop3A_152 : i32 to vector<16xi32>
        %parallel_loop3A_154 = arith.addi %parallel_loop3A_113, %parallel_loop3A_153 : vector<16xi32>
        %parallel_loop3A_155 = arith.select %parallel_loop3A_151, %parallel_loop3A_154, %parallel_loop3A_113 : vector<16xi1>, vector<16xi32>
        %parallel_loop3A_156 = vector.shape_cast %parallel_loop3A_155 : vector<16xi32> to vector<16x1xi32>
        %parallel_loop3A_157 = vector.shape_cast %parallel_loop3A_156 : vector<16x1xi32> to vector<16xi32>
        %parallel_loop3A_158 = tpu.dynamic_gather %get3A_31[%parallel_loop3A_157] in [0] : vector<16xf32>, vector<16xi32> -> vector<16xf32>
        %parallel_loop3A_159 = arith.select %parallel_loop3A_116, %parallel_loop3A_148, %parallel_loop3A_158 : vector<16xi1>, vector<16xf32>
        %parallel_loop3A_160 = arith.mulf %parallel_loop3A_108, %parallel_loop3A_159 : vector<16xf32>
        tpu.vector_store_idx %arg24[%parallel_loop3A_104], %parallel_loop3A_160 {add = true} : memref<10112xf32, #tpu.memory_space<vmem>>[vector<16xi32>], vector<16xf32>,
        %parallel_loop3A_161 = arith.constant 0 : i32
        %parallel_loop3A_162 = vector.broadcast %parallel_loop3A_161 : i32 to vector<16xi32>
        %parallel_loop3A_163 = arith.cmpi slt, %parallel_loop3A_113, %parallel_loop3A_162 : vector<16xi32>
        %parallel_loop3A_164 = arith.constant 16 : i32
        %parallel_loop3A_165 = vector.broadcast %parallel_loop3A_164 : i32 to vector<16xi32>
        %parallel_loop3A_166 = arith.addi %parallel_loop3A_113, %parallel_loop3A_165 : vector<16xi32>
        %parallel_loop3A_167 = arith.select %parallel_loop3A_163, %parallel_loop3A_166, %parallel_loop3A_113 : vector<16xi1>, vector<16xi32>
        %parallel_loop3A_168 = vector.shape_cast %parallel_loop3A_167 : vector<16xi32> to vector<16x1xi32>
        %parallel_loop3A_169 = vector.shape_cast %parallel_loop3A_168 : vector<16x1xi32> to vector<16xi32>
        %parallel_loop3A_170 = tpu.dynamic_gather %get3A_25[%parallel_loop3A_169] in [0] : vector<16xf32>, vector<16xi32> -> vector<16xf32>
        %parallel_loop3A_171 = arith.constant 0 : i32
        %parallel_loop3A_172 = vector.broadcast %parallel_loop3A_171 : i32 to vector<16xi32>
        %parallel_loop3A_173 = arith.cmpi slt, %parallel_loop3A_113, %parallel_loop3A_172 : vector<16xi32>
        %parallel_loop3A_174 = arith.constant 16 : i32
        %parallel_loop3A_175 = vector.broadcast %parallel_loop3A_174 : i32 to vector<16xi32>
        %parallel_loop3A_176 = arith.addi %parallel_loop3A_113, %parallel_loop3A_175 : vector<16xi32>
        %parallel_loop3A_177 = arith.select %parallel_loop3A_173, %parallel_loop3A_176, %parallel_loop3A_113 : vector<16xi1>, vector<16xi32>
        %parallel_loop3A_178 = vector.shape_cast %parallel_loop3A_177 : vector<16xi32> to vector<16x1xi32>
        %parallel_loop3A_179 = vector.shape_cast %parallel_loop3A_178 : vector<16x1xi32> to vector<16xi32>
        %parallel_loop3A_180 = tpu.dynamic_gather %get3A_33[%parallel_loop3A_179] in [0] : vector<16xf32>, vector<16xi32> -> vector<16xf32>
        %parallel_loop3A_181 = arith.select %parallel_loop3A_116, %parallel_loop3A_170, %parallel_loop3A_180 : vector<16xi1>, vector<16xf32>
        %parallel_loop3A_182 = arith.mulf %parallel_loop3A_109, %parallel_loop3A_181 : vector<16xf32>
        tpu.vector_store_idx %arg25[%parallel_loop3A_104], %parallel_loop3A_182 {add = true} : memref<10112xf32, #tpu.memory_space<vmem>>[vector<16xi32>], vector<16xf32>,
        %parallel_loop3A_183 = arith.constant 0 : i32
        %parallel_loop3A_184 = vector.broadcast %parallel_loop3A_183 : i32 to vector<16xi32>
        %parallel_loop3A_185 = arith.cmpi slt, %parallel_loop3A_113, %parallel_loop3A_184 : vector<16xi32>
        %parallel_loop3A_186 = arith.constant 16 : i32
        %parallel_loop3A_187 = vector.broadcast %parallel_loop3A_186 : i32 to vector<16xi32>
        %parallel_loop3A_188 = arith.addi %parallel_loop3A_113, %parallel_loop3A_187 : vector<16xi32>
        %parallel_loop3A_189 = arith.select %parallel_loop3A_185, %parallel_loop3A_188, %parallel_loop3A_113 : vector<16xi1>, vector<16xi32>
        %parallel_loop3A_190 = vector.shape_cast %parallel_loop3A_189 : vector<16xi32> to vector<16x1xi32>
        %parallel_loop3A_191 = vector.shape_cast %parallel_loop3A_190 : vector<16x1xi32> to vector<16xi32>
        %parallel_loop3A_192 = tpu.dynamic_gather %get3A_27[%parallel_loop3A_191] in [0] : vector<16xf32>, vector<16xi32> -> vector<16xf32>
        %parallel_loop3A_193 = arith.constant 0 : i32
        %parallel_loop3A_194 = vector.broadcast %parallel_loop3A_193 : i32 to vector<16xi32>
        %parallel_loop3A_195 = arith.cmpi slt, %parallel_loop3A_113, %parallel_loop3A_194 : vector<16xi32>
        %parallel_loop3A_196 = arith.constant 16 : i32
        %parallel_loop3A_197 = vector.broadcast %parallel_loop3A_196 : i32 to vector<16xi32>
        %parallel_loop3A_198 = arith.addi %parallel_loop3A_113, %parallel_loop3A_197 : vector<16xi32>
        %parallel_loop3A_199 = arith.select %parallel_loop3A_195, %parallel_loop3A_198, %parallel_loop3A_113 : vector<16xi1>, vector<16xi32>
        %parallel_loop3A_200 = vector.shape_cast %parallel_loop3A_199 : vector<16xi32> to vector<16x1xi32>
        %parallel_loop3A_201 = vector.shape_cast %parallel_loop3A_200 : vector<16x1xi32> to vector<16xi32>
        %parallel_loop3A_202 = tpu.dynamic_gather %get3A_35[%parallel_loop3A_201] in [0] : vector<16xf32>, vector<16xi32> -> vector<16xf32>
        %parallel_loop3A_203 = arith.select %parallel_loop3A_116, %parallel_loop3A_192, %parallel_loop3A_202 : vector<16xi1>, vector<16xf32>
        %parallel_loop3A_204 = arith.mulf %parallel_loop3A_110, %parallel_loop3A_203 : vector<16xf32>
        tpu.vector_store_idx %arg26[%parallel_loop3A_104], %parallel_loop3A_204 {add = true} : memref<10112xf32, #tpu.memory_space<vmem>>[vector<16xi32>], vector<16xf32>,
      } {sc.loop_unroll_factor = 4 : i64, sc.parallel_access}
    }
    %scan3A_47 = arith.constant 54 : i32
    %add3A_48 = arith.constant 0 : i32
    %add3A_49 = arith.addi %add3A, %add3A_48 : i32
    "tpu.region"() ({
      %run_scoped3A = tpu.sem_alloc : memref<!tpu.dma_semaphore, #tpu.memory_space<semaphore_mem>>
      %dma_start3A_56 = arith.constant 0 : i32
      %dma_start3A_57 = tpu.memref_slice %arg8[%add3A_49, %dma_start3A_56] : memref<128x10112xf32, #tpu.memory_space<hbm>> -> memref<1x10112xf32, #tpu.memory_space<hbm>>
      %dma_start3A_58 = tpu.memref_squeeze %dma_start3A_57 : memref<1x10112xf32, #tpu.memory_space<hbm>> -> memref<10112xf32, #tpu.memory_space<hbm>>
      %dma_start3A_59 = arith.constant 0 : i32
      %dma_start3A_60 = tpu.memref_slice %arg8[%add3A_49, %dma_start3A_59] : memref<128x10112xf32, #tpu.memory_space<hbm>> -> memref<1x10112xf32, #tpu.memory_space<hbm>>
      %dma_start3A_61 = tpu.memref_squeeze %dma_start3A_60 : memref<1x10112xf32, #tpu.memory_space<hbm>> -> memref<10112xf32, #tpu.memory_space<hbm>>
      tpu.enqueue_dma source(%arg23 : memref<10112xf32, #tpu.memory_space<vmem>>) target(%dma_start3A_61 : memref<10112xf32, #tpu.memory_space<hbm>>) target_semaphore(%run_scoped3A : memref<!tpu.dma_semaphore, #tpu.memory_space<semaphore_mem>>)
      %dma_wait3A = arith.constant 0 : i32
      %dma_wait3A_62 = tpu.memref_slice %arg8[%add3A_49, %dma_wait3A] : memref<128x10112xf32, #tpu.memory_space<hbm>> -> memref<1x10112xf32, #tpu.memory_space<hbm>>
      %dma_wait3A_63 = tpu.memref_squeeze %dma_wait3A_62 : memref<1x10112xf32, #tpu.memory_space<hbm>> -> memref<10112xf32, #tpu.memory_space<hbm>>
      %dma_wait3A_64 = arith.constant 0 : i32
      %dma_wait3A_65 = tpu.memref_slice %arg8[%add3A_49, %dma_wait3A_64] : memref<128x10112xf32, #tpu.memory_space<hbm>> -> memref<1x10112xf32, #tpu.memory_space<hbm>>
      %dma_wait3A_66 = tpu.memref_squeeze %dma_wait3A_65 : memref<1x10112xf32, #tpu.memory_space<hbm>> -> memref<10112xf32, #tpu.memory_space<hbm>>
      tpu.wait_dma2 semaphore(%run_scoped3A : memref<!tpu.dma_semaphore, #tpu.memory_space<semaphore_mem>>) src(%arg23 : memref<10112xf32, #tpu.memory_space<vmem>>) dst(%dma_wait3A_66 : memref<10112xf32, #tpu.memory_space<hbm>>)
      tpu.yield
    }) : () -> ()
    %add3A_50 = arith.constant 1 : i32
    %add3A_51 = arith.addi %add3A, %add3A_50 : i32
    "tpu.region"() ({
      %run_scoped3A = tpu.sem_alloc : memref<!tpu.dma_semaphore, #tpu.memory_space<semaphore_mem>>
      %dma_start3A_56 = arith.constant 0 : i32
      %dma_start3A_57 = tpu.memref_slice %arg8[%add3A_51, %dma_start3A_56] : memref<128x10112xf32, #tpu.memory_space<hbm>> -> memref<1x10112xf32, #tpu.memory_space<hbm>>
      %dma_start3A_58 = tpu.memref_squeeze %dma_start3A_57 : memref<1x10112xf32, #tpu.memory_space<hbm>> -> memref<10112xf32, #tpu.memory_space<hbm>>
      %dma_start3A_59 = arith.constant 0 : i32
      %dma_start3A_60 = tpu.memref_slice %arg8[%add3A_51, %dma_start3A_59] : memref<128x10112xf32, #tpu.memory_space<hbm>> -> memref<1x10112xf32, #tpu.memory_space<hbm>>
      %dma_start3A_61 = tpu.memref_squeeze %dma_start3A_60 : memref<1x10112xf32, #tpu.memory_space<hbm>> -> memref<10112xf32, #tpu.memory_space<hbm>>
      tpu.enqueue_dma source(%arg24 : memref<10112xf32, #tpu.memory_space<vmem>>) target(%dma_start3A_61 : memref<10112xf32, #tpu.memory_space<hbm>>) target_semaphore(%run_scoped3A : memref<!tpu.dma_semaphore, #tpu.memory_space<semaphore_mem>>)
      %dma_wait3A = arith.constant 0 : i32
      %dma_wait3A_62 = tpu.memref_slice %arg8[%add3A_51, %dma_wait3A] : memref<128x10112xf32, #tpu.memory_space<hbm>> -> memref<1x10112xf32, #tpu.memory_space<hbm>>
      %dma_wait3A_63 = tpu.memref_squeeze %dma_wait3A_62 : memref<1x10112xf32, #tpu.memory_space<hbm>> -> memref<10112xf32, #tpu.memory_space<hbm>>
      %dma_wait3A_64 = arith.constant 0 : i32
      %dma_wait3A_65 = tpu.memref_slice %arg8[%add3A_51, %dma_wait3A_64] : memref<128x10112xf32, #tpu.memory_space<hbm>> -> memref<1x10112xf32, #tpu.memory_space<hbm>>
      %dma_wait3A_66 = tpu.memref_squeeze %dma_wait3A_65 : memref<1x10112xf32, #tpu.memory_space<hbm>> -> memref<10112xf32, #tpu.memory_space<hbm>>
      tpu.wait_dma2 semaphore(%run_scoped3A : memref<!tpu.dma_semaphore, #tpu.memory_space<semaphore_mem>>) src(%arg24 : memref<10112xf32, #tpu.memory_space<vmem>>) dst(%dma_wait3A_66 : memref<10112xf32, #tpu.memory_space<hbm>>)
      tpu.yield
    }) : () -> ()
    %add3A_52 = arith.constant 2 : i32
    %add3A_53 = arith.addi %add3A, %add3A_52 : i32
    "tpu.region"() ({
      %run_scoped3A = tpu.sem_alloc : memref<!tpu.dma_semaphore, #tpu.memory_space<semaphore_mem>>
      %dma_start3A_56 = arith.constant 0 : i32
      %dma_start3A_57 = tpu.memref_slice %arg8[%add3A_53, %dma_start3A_56] : memref<128x10112xf32, #tpu.memory_space<hbm>> -> memref<1x10112xf32, #tpu.memory_space<hbm>>
      %dma_start3A_58 = tpu.memref_squeeze %dma_start3A_57 : memref<1x10112xf32, #tpu.memory_space<hbm>> -> memref<10112xf32, #tpu.memory_space<hbm>>
      %dma_start3A_59 = arith.constant 0 : i32
      %dma_start3A_60 = tpu.memref_slice %arg8[%add3A_53, %dma_start3A_59] : memref<128x10112xf32, #tpu.memory_space<hbm>> -> memref<1x10112xf32, #tpu.memory_space<hbm>>
      %dma_start3A_61 = tpu.memref_squeeze %dma_start3A_60 : memref<1x10112xf32, #tpu.memory_space<hbm>> -> memref<10112xf32, #tpu.memory_space<hbm>>
      tpu.enqueue_dma source(%arg25 : memref<10112xf32, #tpu.memory_space<vmem>>) target(%dma_start3A_61 : memref<10112xf32, #tpu.memory_space<hbm>>) target_semaphore(%run_scoped3A : memref<!tpu.dma_semaphore, #tpu.memory_space<semaphore_mem>>)
      %dma_wait3A = arith.constant 0 : i32
      %dma_wait3A_62 = tpu.memref_slice %arg8[%add3A_53, %dma_wait3A] : memref<128x10112xf32, #tpu.memory_space<hbm>> -> memref<1x10112xf32, #tpu.memory_space<hbm>>
      %dma_wait3A_63 = tpu.memref_squeeze %dma_wait3A_62 : memref<1x10112xf32, #tpu.memory_space<hbm>> -> memref<10112xf32, #tpu.memory_space<hbm>>
      %dma_wait3A_64 = arith.constant 0 : i32
      %dma_wait3A_65 = tpu.memref_slice %arg8[%add3A_53, %dma_wait3A_64] : memref<128x10112xf32, #tpu.memory_space<hbm>> -> memref<1x10112xf32, #tpu.memory_space<hbm>>
      %dma_wait3A_66 = tpu.memref_squeeze %dma_wait3A_65 : memref<1x10112xf32, #tpu.memory_space<hbm>> -> memref<10112xf32, #tpu.memory_space<hbm>>
      tpu.wait_dma2 semaphore(%run_scoped3A : memref<!tpu.dma_semaphore, #tpu.memory_space<semaphore_mem>>) src(%arg25 : memref<10112xf32, #tpu.memory_space<vmem>>) dst(%dma_wait3A_66 : memref<10112xf32, #tpu.memory_space<hbm>>)
      tpu.yield
    }) : () -> ()
    %add3A_54 = arith.constant 3 : i32
    %add3A_55 = arith.addi %add3A, %add3A_54 : i32
    "tpu.region"() ({
      %run_scoped3A = tpu.sem_alloc : memref<!tpu.dma_semaphore, #tpu.memory_space<semaphore_mem>>
      %dma_start3A_56 = arith.constant 0 : i32
      %dma_start3A_57 = tpu.memref_slice %arg8[%add3A_55, %dma_start3A_56] : memref<128x10112xf32, #tpu.memory_space<hbm>> -> memref<1x10112xf32, #tpu.memory_space<hbm>>
      %dma_start3A_58 = tpu.memref_squeeze %dma_start3A_57 : memref<1x10112xf32, #tpu.memory_space<hbm>> -> memref<10112xf32, #tpu.memory_space<hbm>>
      %dma_start3A_59 = arith.constant 0 : i32
      %dma_start3A_60 = tpu.memref_slice %arg8[%add3A_55, %dma_start3A_59] : memref<128x10112xf32, #tpu.memory_space<hbm>> -> memref<1x10112xf32, #tpu.memory_space<hbm>>
      %dma_start3A_61 = tpu.memref_squeeze %dma_start3A_60 : memref<1x10112xf32, #tpu.memory_space<hbm>> -> memref<10112xf32, #tpu.memory_space<hbm>>
      tpu.enqueue_dma source(%arg26 : memref<10112xf32, #tpu.memory_space<vmem>>) target(%dma_start3A_61 : memref<10112xf32, #tpu.memory_space<hbm>>) target_semaphore(%run_scoped3A : memref<!tpu.dma_semaphore, #tpu.memory_space<semaphore_mem>>)
      %dma_wait3A = arith.constant 0 : i32
      %dma_wait3A_62 = tpu.memref_slice %arg8[%add3A_55, %dma_wait3A] : memref<128x10112xf32, #tpu.memory_space<hbm>> -> memref<1x10112xf32, #tpu.memory_space<hbm>>
      %dma_wait3A_63 = tpu.memref_squeeze %dma_wait3A_62 : memref<1x10112xf32, #tpu.memory_space<hbm>> -> memref<10112xf32, #tpu.memory_space<hbm>>
      %dma_wait3A_64 = arith.constant 0 : i32
      %dma_wait3A_65 = tpu.memref_slice %arg8[%add3A_55, %dma_wait3A_64] : memref<128x10112xf32, #tpu.memory_space<hbm>> -> memref<1x10112xf32, #tpu.memory_space<hbm>>
      %dma_wait3A_66 = tpu.memref_squeeze %dma_wait3A_65 : memref<1x10112xf32, #tpu.memory_space<hbm>> -> memref<10112xf32, #tpu.memory_space<hbm>>
      tpu.wait_dma2 semaphore(%run_scoped3A : memref<!tpu.dma_semaphore, #tpu.memory_space<semaphore_mem>>) src(%arg26 : memref<10112xf32, #tpu.memory_space<vmem>>) dst(%dma_wait3A_66 : memref<10112xf32, #tpu.memory_space<hbm>>)
      tpu.yield
    }) : () -> ()
    return
  }
}

</mosaic_0001>

<sc_bundles>
// kernel: _mp_step.3.cloned.1.call-start
scs
__scs_entry_jumppad:
0x0: {  	(pc) =	sbr.rel $0x88, $3  }
0x1: {  	(tag) =	ssettag $0x0;
	lr =	simm.s32 $0x1  }
0x2: {  	[smem:$0x3F9B] =	sst lr;
	_ =	strace $0xD0000000  }
0x3: {  	_ = 	snop  }
0x4: {  	_ = 	snop  }
0x5: {  	_ = 	snop  }
0x6: {  	_ = 	snop  }
0x7: {  	_ = 	snop  }
__scs_overlays_trampoline_lowered:
0x8: {  	[smem:$0x3FAA] =	sst s0  }
0x9: {  	[smem:$0x3FAB] =	sst s1  }
0xa: {  	[smem:$0x3FAC] =	sst s2  }
0xb: {  	[smem:$0x3FAD] =	sst s3  }
0xc: {  	[smem:$0x3FAE] =	sst s4  }
0xd: {  	[smem:$0x3FAF] =	sst s5  }
0xe: {  	[smem:$0x3FB0] =	sst s6  }
0xf: {  	[smem:$0x3FB1] =	sst s7  }
0x10: {  	[smem:$0x3FB2] =	sst s8  }
0x11: {  	[smem:$0x3FB3] =	sst s9;
	s0 =	simm.s32 @!p0 $0x0  }
0x12: {  	s1 =	sld [smem:$0x3F99];
	s0 =	simm.s32 @p0 $0x1  }
0x13: {  	[smem:$0x3FB4] =	sst s0;
	s0 =	simm.s32 @!p1 $0x0  }
0x14: {  	s2 =	sld [smem:$0x3F98];
	s0 =	simm.s32 @p1 $0x1  }
0x15: {  	[smem:$0x3FB5] =	sst s0;
	s0 =	simm.s32 @!p2 $0x0  }
0x16: {  	s3 =	sld [smem:$0x3FDB];
	s0 =	simm.s32 @p2 $0x1  }
0x17: {  	s4 =	simm.s32 $0x1BF5;
	[smem:$0x3FB7] =	sst s0  }
0x18: {  	s0 =	sld [smem:$0x3F9A];
	_ =	swait.ge [sflag:s4], $0x0  }
0x19: {  	s7 =	sld [smem:$0x3F9B]  }
0x1a: {  	s8 =	sadd.s32 $0xFFFFE003, lr  }
0x1b: {  	s9 =	sadd.s32 $0xFFFFFEF7, lr;
	s5 =	simm.s32 $0xFFFFFFFF;
	p2 =	slt.u32 s8, $0xFFFFF086  }
0x1c: {  	p1 =	slt.u32 s9, $0xF7A;
	s5 =	simm.s32 @!p2 $0x0  }
0x1d: {  	s5 =	simm.s32 @p1 $0x1;
	p0 =	seq.s32 s7, s2  }
0x1e: {  	s7 =	smul.u32 @!p0 $0xF7A, s2;
	p2 =	seq.s32 @!p0 s5, $0x0  }
0x1f: {  	s9 =	smul.u32 $0xF7A, s1;
	s8 =	simm.s32 @!p0 $0x1BF5;
	p2 =	por !p2, p0  }
0x20: {  	[sflag:s8] =	ssyncset.s32 @!p0 $0xFFFFF086;
	s6 =	sadd.s32 @!p0 s3, s7;
	s7 =	simm.s32 @!p0 $0x108  }
0x21: {  	s3 =	sadd.s32 s3, s9;
	s6 =	sadd.s32 @!p0 $0x88, s6;
	s7 =	simm.s32 @p2 $0x1082  }
0x22: {  	[simem:s7], [sflag:s8] =	dma.local @!p0 [hbm:s6], $0xF7A  }
0x23: {  	s9 =	sor.u32 $0xD0000000, s2;
	s6 =	simm.s32 $0x108;
	_ =	swait.ge @!p0 [sflag:s8], $0x0  }
0x24: {  	s3 =	sadd.s32 $0x88, s3;
	s6 =	simm.s32 @!p1 $0x1082;
	[sflag:s4] =	ssyncset.s32 $0xFFFFF086  }
0x25: {  	[simem:s6], [sflag:s4] =	dma.local [hbm:s3], $0xF7A  }
0x26: {  	[smem:$0x3F9B] =	sst s1;
	(tag) =	ssettag s2;
	_ =	strace s9  }
0x27: {  	s1 =	sld [smem:$0x3FAB]  }
0x28: {  	s2 =	sld [smem:$0x3FAC]  }
0x29: {  	s4 =	sld [smem:$0x3FAE]  }
0x2a: {  	p0 =	seq.s32 s5, $0x0;
	s5 =	sld [smem:$0x3FAF]  }
0x2b: {  	s6 =	sld [smem:$0x3FB0]  }
0x2c: {  	s7 =	sld [smem:$0x3FB1]  }
0x2d: {  	s3 =	simm.s32 $0x108;
	s8 =	sld [smem:$0x3FB2]  }
0x2e: {  	s3 =	simm.s32 @!p0 $0x1082;
	s9 =	sld [smem:$0x3FB3]  }
0x2f: {  	lr =	sadd.s32 s0, s3;
	s0 =	sld [smem:$0x3FAA]  }
0x30: {  	s3 =	sld [smem:$0x3FAD]  }
0x31: {  	[smem:$0x3FB6] =	sst s10  }
0x32: {  	s10 =	sld [smem:$0x3FB4];
	_ =	sdelay $0x3  }
0x33: {  	p0 =	seq.s32 s10, $0x1;
	s10 =	sld [smem:$0x3FB6];
	_ =	sdelay $0x3  }
0x34: {  	[smem:$0x3FB6] =	sst s10  }
0x35: {  	s10 =	sld [smem:$0x3FB5];
	_ =	sdelay $0x3  }
0x36: {  	p1 =	seq.s32 s10, $0x1;
	s10 =	sld [smem:$0x3FB6];
	_ =	sdelay $0x3  }
0x37: {  	[smem:$0x3FB6] =	sst s10  }
0x38: {  	s10 =	sld [smem:$0x3FB7]  }
0x39: {  	_ = 	snop;
	(pc) =	sbr.ind lr, $3  }
0x3a: {  	_ = 	snop  }
0x3b: {  	_ = 	snop  }
0x3c: {  	p2 =	seq.s32 s10, $0x1;
	s10 =	sld [smem:$0x3FB6]  }
0x3d: {  	_ =	shalt  }
0x3e: {  	_ =	shalt  }
0x3f: {  	_ =	shalt  }
0x40: {  	_ =	shalt  }
0x41: {  	_ =	shalt  }
0x42: {  	_ =	shalt  }
0x43: {  	_ =	shalt  }
0x44: {  	_ =	shalt  }
0x45: {  	_ =	shalt  }
0x46: {  	_ =	shalt  }
0x47: {  	_ =	shalt  }
0x48: {  	_ =	shalt  }
0x49: {  	_ =	shalt  }
0x4a: {  	_ =	shalt  }
0x4b: {  	_ =	shalt  }
0x4c: {  	_ =	shalt  }
0x4d: {  	_ =	shalt  }
0x4e: {  	_ =	shalt  }
0x4f: {  	_ =	shalt  }
0x50: {  	_ =	shalt  }
0x51: {  	_ =	shalt  }
0x52: {  	_ =	shalt  }
0x53: {  	_ =	shalt  }
0x54: {  	_ =	shalt  }
0x55: {  	_ =	shalt  }
0x56: {  	_ =	shalt  }
0x57: {  	_ =	shalt  }
0x58: {  	_ =	shalt  }
0x59: {  	_ =	shalt  }
0x5a: {  	_ =	shalt  }
0x5b: {  	_ =	shalt  }
0x5c: {  	_ =	shalt  }
0x5d: {  	_ =	shalt  }
0x5e: {  	_ =	shalt  }
0x5f: {  	_ =	shalt  }
0x60: {  	_ =	shalt  }
0x61: {  	_ =	shalt  }
0x62: {  	_ =	shalt  }
0x63: {  	_ =	shalt  }
0x64: {  	_ =	shalt  }
0x65: {  	_ =	shalt  }
0x66: {  	_ =	shalt  }
0x67: {  	_ =	shalt  }
0x68: {  	_ =	shalt  }
0x69: {  	_ =	shalt  }
0x6a: {  	_ =	shalt  }
0x6b: {  	_ =	shalt  }
0x6c: {  	_ =	shalt  }
0x6d: {  	_ =	shalt  }
0x6e: {  	_ =	shalt  }
0x6f: {  	_ =	shalt  }
0x70: {  	_ =	shalt  }
0x71: {  	_ =	shalt  }
0x72: {  	_ =	shalt  }
0x73: {  	_ =	shalt  }
0x74: {  	_ =	shalt  }
0x75: {  	_ =	shalt  }
0x76: {  	_ =	shalt  }
0x77: {  	_ =	shalt  }
0x78: {  	_ =	shalt  }
0x79: {  	_ =	shalt  }
0x7a: {  	_ =	shalt  }
0x7b: {  	_ =	shalt  }
0x7c: {  	_ =	shalt  }
0x7d: {  	_ =	shalt  }
0x7e: {  	_ =	shalt  }
0x7f: {  	_ =	shalt  }
0x80: {  	_ =	shalt  }
0x81: {  	_ =	shalt  }
0x82: {  	_ =	shalt  }
0x83: {  	_ =	shalt  }
0x84: {  	_ =	shalt  }
0x85: {  	_ =	shalt  }
0x86: {  	_ =	shalt  }
0x87: {  	_ =	shalt  }
.Lfunc_end0:
.L_simem_size_0:
called_computation_lowered:
.L_overlay_start_0:
0x88: {  	s2 =	sld [smem:$0x3FD9]  }
0x89: {  	s3 =	sld [smem:$0x3FFE];
	_ =	sdelay $0x1  }
0x8a: {  	s1 =	srdreg.scid  }
0x8b: {  	s0 =	sand.u32 $0x1, s1  }
0x8c: {  	s17 =	sshll.u32 s0, $0xA;
	s2 =	sadd.s32 s3, s2  }
0x8d: {  	s2 =	sadd.s32 s2, s17  }
0x8e: {  	[smem:$0x3FC2] =	sst s2  }
0x8f: {  	_ = 	snop  }
0x90: {  	s2 =	sld [smem:$0x3FC9]  }
0x91: {  	s18 =	sld [smem:$0x3FC8]  }
0x92: {  	s4 =	sld [smem:$0x3FC7]  }
0x93: {  	s5 =	sld [smem:$0x3FC4]  }
0x94: {  	s6 =	sld [smem:$0x3FD0];
	(tm) =	ssettm $0x1  }
0x95: {  	s7 =	sld [smem:$0x3FFB];
	_ =	sdelay $0x3  }
0x96: {  	_ =	strace s7  }
0x97: {  	s7 =	sld [smem:$0x3FFC];
	_ =	sdelay $0x3  }
0x98: {  	_ =	strace s7  }
0x99: {  	s7 =	sld [smem:$0x3FFD];
	_ =	sdelay $0x3  }
0x9a: {  	_ =	strace s7  }
0x9b: {  	_ =	strace $0x8FFFFFFF  }
0x9c: {  	s19 =	sld [smem:$0x3FDB];
	_ =	sdelay $0x1  }
0x9d: {  	s8 =	simm.s32 $_scs_section_size  }
0x9e: {  	s9 =	simm.s32 $_size__tile_overlayer_lowered;
	s10 =	simm.s32 $_tile_overlayer_lowered  }
0x9f: {  	s22 =	simm.s32 $0x1BFF;
	s21 =	sshll.u32 s10, $0x1;
	s7 =	sadd.s32 s8, s19  }
0xa0: {  	s11 =	simm.s32 $0x0;
	s20 =	sshll.u32 s9, $0x1;
	s9 =	sadd.s32 s21, s7  }
0xa1: {  	[timem:s11], [sflag:s22] =	dma.local [hbm:s9], s20  }
0xa2: {  	_ =	swait.ge [sflag:s22], s20  }
0xa3: {  	s8 =	ssub.s32 $0x0, s20;
	[sflag:s22] =	ssyncset.done $0x0  }
0xa4: {  	[sflag:s22] =	ssyncadd.s32 s8;
	_ =	sdelay $0x1  }
0xa5: {  	s23 =	simm.s32 $0x1B8B  }
0xa6: {  	_ =	swait.ge [sflag:s23], $0x1  }
0xa7: {  	[sflag:s23] =	ssyncset.done $0x0  }
0xa8: {  	s25 =	simm.s32 $0x1B8E;
	s24 =	sld [smem:$0x3FFE];
	[sflag:s23] =	ssyncadd.s32 $0xFFFFFFFF  }
0xa9: {  	s26 =	simm.s32 $execute0_lowered;
	[smem:$0x3FD2] =	sst s25  }
0xaa: {  	s9 =	sshll.u32 s26, $0x1;
	_ =	strace $0x80000046;
	[dreg:$0x1] =	wrdreg $0xFFFFFFFF  }
0xab: {  	s28 =	simm.s32 $_size_execute0_lowered;
	s7 =	sadd.s32 s7, s9;
	[dreg:$0x0] =	wrdreg $0x0  }
0xac: {  	s9 =	sshll.u32 s28, $0x1;
	[dreg:$0x2] =	wrdreg s7  }
0xad: {  	[dreg:$0x3] =	wrdreg s9  }
0xae: {  	[dreg:$0x4] =	wrdreg $0xC0  }
0xaf: {  	_ =	task [dreg:s11], $0x5FFFF  }
0xb0: {  	[dreg:$0x1] =	wrdreg $0xFFFFFFFF  }
0xb1: {  	[dreg:$0x0] =	wrdreg $0x60  }
0xb2: {  	[dreg:$0x2] =	wrdreg s2  }
0xb3: {  	[dreg:$0x3] =	wrdreg s18  }
0xb4: {  	[dreg:$0x4] =	wrdreg s4  }
0xb5: {  	[dreg:$0x5] =	wrdreg s6  }
0xb6: {  	[dreg:$0x6] =	wrdreg s24  }
0xb7: {  	[dreg:$0x7] =	wrdreg s5  }
0xb8: {  	[dreg:$0x8] =	wrdreg $0x9  }
0xb9: {  	_ =	task.clear_ibuf [dreg:s11], $0x9FFFF;
	_ =	strace $0x90000046  }
0xba: {  	s29 =	simm.s32 $0x9;
	_ =	strace $0x80000048  }
0xbb: {  	_ =	swait.ge [sflag:s29], $0x1  }
0xbc: {  	[sflag:s29] =	ssyncadd.s32 $0xFFFFFFFF  }
0xbd: {  	_ =	strace $0x90000048  }
0xbe: {  	_ =	sfence  }
0xbf: {  	s30 =	sld [smem:$0x0];
	_ =	sdelay $0x2  }
0xc0: {  	s31 =	sshll.u32 s1, $0xD;
	s1 =	sshrl.u32 s1, $0x2  }
0xc1: {  	s3 =	sand.u32 $0x4000, s31;
	s1 =	sadd.s32 s1, s30  }
0xc2: {  	s0 =	sor.u32 s3, s0;
	s1 =	sshll.u32 s1, $0x11  }
0xc3: {  	s0 =	sor.u32 s1, s0  }
0xc4: {  	s0 =	sadd.s32 $0x8F2B, s0  }
0xc5: {  	[sflag:s0] =	ssyncadd.remote.s32 $0x1  }
0xc6: {  	_ =	sfence.sel $0xFFFF  }
0xc7: {  	[dreg:$0x0] =	wrdreg $0xFFFFFFFF;
	(pc) =	sbr.abs _section_cstart, $3  }
0xc8: {  	[dreg:$0x1] =	wrdreg $0xFFFFFFFF  }
0xc9: {  	_ =	task.clear_ibuf [dreg:s11], $0x2FFFF;
	_ =	strace $0x9FFFFFFF  }
0xca: {  	(tm) =	ssettm $0x7FFFFFFF  }
0xcb: {  	_ =	shalt  }
tec
execute0_lowered:
.L_overlay_start_1:
0x0: {  	(tag) =	ssettag $0x1  }
0x1: {  	s1 =	rddreg [dreg:$0x0]  }
0x2: {  	s2 =	rddreg [dreg:$0x1]  }
0x3: {  	s3 =	rddreg [dreg:$0x2]  }
0x4: {  	s0 =	rddreg [dreg:$0x3]  }
0x5: {  	s6 =	rddreg [dreg:$0x4]  }
0x6: {  	s4 =	rddreg [dreg:$0x5];
	s5 =	simm.s32 $0x0;
	s7 =	srdreg.scid  }
0x7: {  	s18 =	stileid.u32;
	s29 =	simm.s32 $0xE680;
	s30 =	simm.s32 $0x6F80  }
0x8: {  	s31 =	simm.s32 $0x13580;
	s28 =	simm.s32 $0xBE80;
	[smem:$0x7FF] =	sst s5  }
0x9: {  	s7 =	sand.u32 $0x1, s7;
	s9 =	sadd.s32 $0x400, s6;
	s11 =	smul.u32 $0x13C0, s18  }
0xa: {  	s10 =	sshll.u32 s18, $0x2;
	s13 =	smul.u32 $0xC, s18;
	s6 =	sadd.s32 $0x600, s6  }
0xb: {  	s25 =	sshllo.u32 s18, $0x2;
	s8 =	smul.u32 $0x51000, s7;
	s14 =	sor.u32 $0x1, s10  }
0xc: {  	_ =	strace $0x80000047;
	s12 =	ssub.s32 $0x2, s7;
	s16 =	smul.u32 $0x4F0, s14  }
0xd: {  	s7 =	sshll.u32 s7, $0x6;
	s17 =	sor.u32 $0x2, s10;
	s14 =	smul.u32 $0x3, s14  }
0xe: {  	s15 =	sshrl.u32 s12, $0x1;
	s7 =	sor.u32 s10, s7;
	s23 =	smul.u32 $0x4F0, s17  }
0xf: {  	s11 =	sadd.s32 s0, s11;
	s24 =	smul.u32 $0x3, s17;
	s13 =	sadd.s32 s9, s13  }
0x10: {  	s17 =	smul.u32 $0x3, s25;
	s12 =	ssub.s32 s12, s15;
	[dreg:$0x7] =	wrdreg s11  }
0x11: {  	[dreg:$0x8] =	wrdreg s13;
	s18 =	sshrl.u32 s8, $0x3;
	s26 =	sadd.s32 s0, s16  }
0x12: {  	s19 =	smul.u32 $0x2780, s7;
	s14 =	sadd.s32 s9, s14;
	[dreg:$0x9] =	wrdreg s26  }
0x13: {  	s13 =	simm.s32 $0x0;
	s10 =	sadd.s32 s0, s23;
	[dreg:$0xa] =	wrdreg s14  }
0x14: {  	s16 =	smul.u32 $0x4F0, s25;
	s11 =	sadd.s32 s9, s24;
	[dreg:$0xb] =	wrdreg s10  }
0x15: {  	s20 =	sadd.s32 s9, s17;
	s21 =	sadd.s32 s1, s18;
	[dreg:$0xc] =	wrdreg s11  }
0x16: {  	s22 =	sadd.s32 s2, s18;
	s23 =	smul.u32 $0x4F0, s7;
	[dreg:$0xe] =	wrdreg s20  }
0x17: {  	s25 =	sadd.s32 s3, s18;
	s18 =	sor.u32 $0xC00, s8;
	[dreg:$0xf] =	wrdreg s21  }
0x18: {  	s9 =	simm.s32 $0x2400;
	[dreg:$0x10] =	wrdreg s22;
	s24 =	sshrl.u32 s19, $0x3  }
0x19: {  	[dreg:$0x11] =	wrdreg s25;
	s19 =	sadd.s32 $0x1800, s8;
	s25 =	simm.s32 $0x4800  }
0x1a: {  	s8 =	simm.s32 $0xC00;
	s10 =	simm.s32 $0x3C00;
	s11 =	simm.s32 $0x1  }
0x1b: {  	s0 =	sadd.s32 s0, s16;
	s7 =	sadd.s32 s6, s24;
	s24 =	smax.u32 s12, $0x1  }
0x1c: {  	s12 =	simm.s32 $0x2;
	[dreg:$0xd] =	wrdreg s0;
	s0 =	sadd.s32 s6, s23  }
0x1d: {  	s26 =	sadd.s32 $0x4F0, s7;
	s22 =	sadd.s32 $0x9E0, s7;
	s23 =	sadd.s32 $0xED0, s7  }
0x1e: {  	s6 =	simm.s32 $0x9700;
	s7 =	simm.s32 $0x15D00;
	[dreg:$0x12] =	wrdreg s0  }
0x1f: {  	[dreg:$0x13] =	wrdreg s26;
	s26 =	simm.s32 $0x3;
	s0 =	simm.s32 $0x10E00  }
.LBB2_1:
0x20: {  	s14 =	rddreg [dreg:$0x7]  }
0x21: {  	[tilespmem:s25], [sflag:$0x3] =	stream.linear.gather [hbm4b:s14+s5], $0x2780, $0x38;
	[tilespmem:$0x18480] =	vst v63  }
0x22: {  	_ =	swait.ge [sflag:s26], $0x2780  }
0x23: {  	[sflag:s26] =	ssyncset.done $0x0  }
0x24: {  	s15 =	simm.s32 $0xE600;
	s21 =	rddreg [dreg:$0x8];
	[sflag:s26] =	ssyncadd.s32 $0xFFFFD880  }
0x25: {  	[tilespmem:s15], [sflag:$0x3] =	stream.linear.gather [hbm4b:s21+s5], $0x18, $0x38;
	[tilespmem:$0x18480] =	vst v63  }
0x26: {  	_ =	swait.ge [sflag:s26], $0x18  }
0x27: {  	[sflag:s26] =	ssyncset.done $0x0  }
0x28: {  	[sflag:s26] =	ssyncadd.s32 $0xFFFFFFE8  }
0x29: {  	[tilespmem:s29], [sflag:$0x3] =	stream.linear.gather [hbm4b:s4+s5], $0x2780, $0x38;
	[tilespmem:$0x18480] =	vst v63  }
0x2a: {  	_ =	swait.ge [sflag:s26], $0x2780  }
0x2b: {  	[sflag:s26] =	ssyncset.done $0x0  }
0x2c: {  	s16 =	rddreg [dreg:$0x9];
	[sflag:s26] =	ssyncadd.s32 $0xFFFFD880  }
0x2d: {  	[tilespmem:s30], [sflag:$0x3] =	stream.linear.gather [hbm4b:s16+s5], $0x2780, $0x38;
	[tilespmem:$0x18480] =	vst v63  }
0x2e: {  	_ =	swait.ge [sflag:s26], $0x2780  }
0x2f: {  	[sflag:s26] =	ssyncset.done $0x0  }
0x30: {  	s20 =	simm.s32 $0xE620;
	s17 =	rddreg [dreg:$0xa];
	[sflag:s26] =	ssyncadd.s32 $0xFFFFD880  }
0x31: {  	[tilespmem:s20], [sflag:$0x3] =	stream.linear.gather [hbm4b:s17+s5], $0x18, $0x38;
	[tilespmem:$0x18480] =	vst v63  }
0x32: {  	_ =	swait.ge [sflag:s26], $0x18  }
0x33: {  	[sflag:s26] =	ssyncset.done $0x0  }
0x34: {  	[sflag:s26] =	ssyncadd.s32 $0xFFFFFFE8  }
0x35: {  	[tilespmem:s0], [sflag:$0x3] =	stream.linear.gather [hbm4b:s4+s5], $0x2780, $0x38;
	[tilespmem:$0x18480] =	vst v63  }
0x36: {  	_ =	swait.ge [sflag:s26], $0x2780  }
0x37: {  	[sflag:s26] =	ssyncset.done $0x0  }
0x38: {  	s21 =	rddreg [dreg:$0xb];
	[sflag:s26] =	ssyncadd.s32 $0xFFFFD880  }
0x39: {  	[tilespmem:s6], [sflag:$0x3] =	stream.linear.gather [hbm4b:s21+s5], $0x2780, $0x38;
	[tilespmem:$0x18480] =	vst v63  }
0x3a: {  	_ =	swait.ge [sflag:s26], $0x2780  }
0x3b: {  	[sflag:s26] =	ssyncset.done $0x0  }
0x3c: {  	s16 =	simm.s32 $0xE640;
	s15 =	rddreg [dreg:$0xc];
	[sflag:s26] =	ssyncadd.s32 $0xFFFFD880  }
0x3d: {  	[tilespmem:s16], [sflag:$0x3] =	stream.linear.gather [hbm4b:s15+s5], $0x18, $0x38;
	[tilespmem:$0x18480] =	vst v63  }
0x3e: {  	_ =	swait.ge [sflag:s26], $0x18  }
0x3f: {  	[sflag:s26] =	ssyncset.done $0x0  }
0x40: {  	[sflag:s26] =	ssyncadd.s32 $0xFFFFFFE8  }
0x41: {  	[tilespmem:s31], [sflag:$0x3] =	stream.linear.gather [hbm4b:s4+s5], $0x2780, $0x38;
	[tilespmem:$0x18480] =	vst v63  }
0x42: {  	_ =	swait.ge [sflag:s26], $0x2780  }
0x43: {  	[sflag:s26] =	ssyncset.done $0x0  }
0x44: {  	s17 =	rddreg [dreg:$0xd];
	[sflag:s26] =	ssyncadd.s32 $0xFFFFD880  }
0x45: {  	[tilespmem:s28], [sflag:$0x3] =	stream.linear.gather [hbm4b:s17+s5], $0x2780, $0x38;
	[tilespmem:$0x18480] =	vst v63  }
0x46: {  	_ =	swait.ge [sflag:s26], $0x2780  }
0x47: {  	[sflag:s26] =	ssyncset.done $0x0  }
0x48: {  	s21 =	simm.s32 $0xE660;
	s20 =	rddreg [dreg:$0xe];
	[sflag:s26] =	ssyncadd.s32 $0xFFFFD880  }
0x49: {  	[tilespmem:s21], [sflag:$0x3] =	stream.linear.gather [hbm4b:s20+s5], $0x18, $0x38;
	[tilespmem:$0x18480] =	vst v63  }
0x4a: {  	_ =	swait.ge [sflag:s26], $0x18  }
0x4b: {  	[sflag:s26] =	ssyncset.done $0x0  }
0x4c: {  	[sflag:s26] =	ssyncadd.s32 $0xFFFFFFE8  }
0x4d: {  	[tilespmem:s7], [sflag:$0x3] =	stream.linear.gather [hbm4b:s4+s5], $0x2780, $0x38;
	[tilespmem:$0x18480] =	vst v63  }
0x4e: {  	_ =	swait.ge [sflag:s26], $0x2780  }
0x4f: {  	[sflag:s26] =	ssyncset.done $0x0  }
0x50: {  	[sflag:s26] =	ssyncadd.s32 $0xFFFFD880  }
0x51: {  	v0 =	vld [tilespmem:$0xE600]  }
0x52: {  	v1 =	vld [tilespmem:$0xE620]  }
0x53: {  	v2 =	vld [tilespmem:$0xE640]  }
0x54: {  	v3 =	vld [tilespmem:$0xE660]  }
0x55: {  	v4 =	vld [tilespmem:$0xE610]  }
0x56: {  	v5 =	vld [tilespmem:$0xE630]  }
0x57: {  	s15 =	rddreg [dreg:$0xf];
	v6 =	vld [tilespmem:$0xE650]  }
0x58: {  	v7 =	vld [tilespmem:$0xE670];
	[tilespmem:s5], [sflag:$0x1] =	stream.linear.gather [hbm4b:s15+s5], $0xC00, $0x38  }
0x59: {  	s17 =	simm.s32 $0x1800;
	s16 =	rddreg [dreg:$0x10]  }
0x5a: {  	[tilespmem:s17], [sflag:$0x1] =	stream.linear.gather [hbm4b:s16+s5], $0xC00, $0x38;
	[tilespmem:$0x18480] =	vst v63  }
0x5b: {  	s14 =	simm.s32 $0x0;
	s21 =	simm.s32 $0x3000;
	s20 =	rddreg [dreg:$0x11]  }
0x5c: {  	[tilespmem:s21], [sflag:$0x1] =	stream.linear.gather [hbm4b:s20+s5], $0xC00, $0x38;
	[tilespmem:$0x18480] =	vst v63  }
.LBB2_2:
0x5d: {  	s15 =	smul.u32 $0x1800, s14;
	_ =	sdelay $0x1  }
0x5e: {  	s16 =	sadd.s32 s15, s18  }
0x5f: {  	s16 =	sshrl.u32 s16, $0x3  }
0x60: {  	s17 =	sadd.s32 s1, s16  }
0x61: {  	[tilespmem:s8], [sflag:$0x2] =	stream.linear.gather [hbm4b:s17+s5], $0xC00, $0x38;
	[tilespmem:$0x18480] =	vst v63  }
0x62: {  	s20 =	sadd.s32 s2, s16  }
0x63: {  	[tilespmem:s9], [sflag:$0x2] =	stream.linear.gather [hbm4b:s20+s5], $0xC00, $0x38;
	[tilespmem:$0x18480] =	vst v63  }
0x64: {  	s16 =	sadd.s32 s3, s16  }
0x65: {  	[tilespmem:s10], [sflag:$0x2] =	stream.linear.gather [hbm4b:s16+s5], $0xC00, $0x38;
	[tilespmem:$0x18480] =	vst v63  }
0x66: {  	_ =	swait.ge [sflag:s11], $0xC00  }
0x67: {  	[sflag:s11] =	ssyncset.done $0x0  }
0x68: {  	[sflag:s11] =	ssyncadd.s32 $0xFFFFF400  }
0x69: {  	_ =	swait.ge [sflag:s11], $0xC00  }
0x6a: {  	[sflag:s11] =	ssyncset.done $0x0  }
0x6b: {  	[sflag:s11] =	ssyncadd.s32 $0xFFFFF400  }
0x6c: {  	_ =	swait.ge [sflag:s11], $0xC00  }
0x6d: {  	[sflag:s11] =	ssyncset.done $0x0  }
0x6e: {  	s21 =	simm.s32 $0x20;
	[sflag:s11] =	ssyncadd.s32 $0xFFFFF400  }
0x6f: {  	v8 =	vld [tilespmem:s21+$0x10]  }
0x70: {  	v9 =	vld [tilespmem:s21+$0xFFFFFFF0]  }
0x71: {  	v10 =	vld [tilespmem:s21+$0x0]  }
0x72: {  	s16 =	simm.s32 $0x3020;
	v11 =	vld [tilespmem:s21+$0xFFFFFFE0]  }
0x73: {  	v12 =	vld [tilespmem:s16+$0x10]  }
0x74: {  	v13 =	vld [tilespmem:s16+$0xFFFFFFE0]  }
0x75: {  	s17 =	simm.s32 $0x1820;
	v14 =	vld [tilespmem:s16+$0xFFFFFFF0]  }
0x76: {  	v15 =	vld [tilespmem:s17+$0x10]  }
0x77: {  	v23 =	vld [tilespmem:s16+$0x0]  }
0x78: {  	v18 =	vand.u32 $0xF, v12;
	v16 =	vld.idx.msk [tilespmem:v8+s25+$0x0], $0xffff  }
0x79: {  	v20 =	vperm.xlane v0, v18;
	v17 =	vld.idx.msk [tilespmem:v8+s30+$0x0], $0xffff  }
0x7a: {  	v21 =	vperm.xlane v4, v18;
	v22 =	vperm.xlane v1, v18;
	v19 =	vld.idx.msk [tilespmem:v8+s6+$0x0], $0xffff  }
0x7b: {  	vm0 =	vlt.s32 v12, $0x10;
	v12 =	vperm.xlane v5, v18;
	v24 =	vperm.xlane v2, v18;
	v8 =	vld.idx.msk [tilespmem:v8+s28+$0x0], $0xffff  }
0x7c: {  	v28 =	vld [tilespmem:s17+$0xFFFFFFE0];
	v62 =	vperm.xlane v6, v18;
	v26 =	vperm.xlane v3, v18;
	v20 =	vsel vm0, v20, v21  }
0x7d: {  	v18 =	vperm.xlane v7, v18;
	v25 =	vld.idx.msk [tilespmem:v11+s25+$0x0], $0xffff;
	v12 =	vsel vm0, v22, v12;
	v16 =	vmul.f32 v20, v16  }
0x7e: {  	vm2 =	vlt.s32 v13, $0x10;
	v27 =	vld.idx.msk [tilespmem:v11+s30+$0x0], $0xffff;
	v12 =	vmul.f32 v12, v17  }
0x7f: {  	vm1 =	vlt.s32 v14, $0x10;
	v40 =	vsel vm0, v24, v62;
	v42 =	vsel vm0, v26, v18;
	[tilespmem:v15+s29+$0x0] =	vst.idx.add.f32.msk $0xffff, v16  }
0x80: {  	v41 =	vmul.f32 v40, v19;
	v8 =	vmul.f32 v42, v8;
	[tilespmem:v15+s0+$0x0] =	vst.idx.add.f32.msk $0xffff, v12;
	v12 =	vand.u32 $0xF, v13  }
0x81: {  	v63 =	vld.idx.msk [tilespmem:v11+s6+$0x0], $0xffff;
	v13 =	vand.u32 $0xF, v14;
	v43 =	vperm.xlane v0, v12;
	v14 =	vperm.xlane v1, v12  }
0x82: {  	v46 =	vld.idx.msk [tilespmem:v9+s25+$0x0], $0xffff;
	v44 =	vperm.xlane v5, v12;
	v45 =	vperm.xlane v2, v12  }
0x83: {  	v49 =	vld.idx.msk [tilespmem:v9+s30+$0x0], $0xffff;
	v47 =	vperm.xlane v6, v12;
	v48 =	vperm.xlane v3, v12  }
0x84: {  	v51 =	vld.idx.msk [tilespmem:v9+s6+$0x0], $0xffff;
	v50 =	vperm.xlane v0, v13;
	v52 =	vperm.xlane v4, v13  }
0x85: {  	v30 =	vld.idx.msk [tilespmem:v9+s28+$0x0], $0xffff;
	v53 =	vperm.xlane v1, v13;
	v54 =	vperm.xlane v5, v13  }
0x86: {  	v9 =	vld [tilespmem:s17+$0xFFFFFFF0];
	v29 =	vperm.xlane v2, v13;
	v55 =	vperm.xlane v6, v13  }
0x87: {  	[tilespmem:v15+s31+$0x0] =	vst.idx.add.f32.msk $0xffff, v41;
	v31 =	vperm.xlane v3, v13;
	v13 =	vperm.xlane v7, v13  }
0x88: {  	[tilespmem:v15+s7+$0x0] =	vst.idx.add.f32.msk $0xffff, v8;
	v8 =	vperm.xlane v4, v12;
	v15 =	vand.u32 $0xF, v23;
	v12 =	vperm.xlane v7, v12  }
0x89: {  	v11 =	vld.idx.msk [tilespmem:v11+s28+$0x0], $0xffff;
	v14 =	vsel vm2, v14, v44;
	v18 =	vsel vm2, v45, v47;
	v16 =	vsel vm1, v50, v52  }
0x8a: {  	v32 =	vld.idx.msk [tilespmem:v10+s25+$0x0], $0xffff;
	v56 =	vperm.xlane v0, v15;
	v21 =	vsel vm1, v53, v54;
	v57 =	vperm.xlane v4, v15  }
0x8b: {  	v33 =	vld.idx.msk [tilespmem:v10+s30+$0x0], $0xffff;
	v34 =	vperm.xlane v1, v15;
	v22 =	vsel vm1, v29, v55;
	v58 =	vperm.xlane v5, v15  }
0x8c: {  	v35 =	vld.idx.msk [tilespmem:v10+s6+$0x0], $0xffff;
	v36 =	vperm.xlane v2, v15;
	v59 =	vperm.xlane v6, v15;
	v8 =	vsel vm2, v43, v8  }
0x8d: {  	v37 =	vld.idx.msk [tilespmem:v10+s28+$0x0], $0xffff;
	v60 =	vperm.xlane v3, v15;
	v12 =	vsel vm2, v48, v12;
	v25 =	vmul.f32 v8, v25  }
0x8e: {  	v13 =	vsel vm1, v31, v13;
	v8 =	vld [tilespmem:s17+$0x0];
	v11 =	vmul.f32 v12, v11;
	v12 =	vmul.f32 v16, v46  }
0x8f: {  	v15 =	vperm.xlane v7, v15;
	v14 =	vmul.f32 v14, v27;
	[tilespmem:v28+s29+$0x0] =	vst.idx.add.f32.msk $0xffff, v25  }
0x90: {  	vm15 =	vlt.s32 v23, $0x10;
	v18 =	vmul.f32 v18, v63;
	v62 =	vmul.f32 v21, v49;
	[tilespmem:v9+s29+$0x0] =	vst.idx.add.f32.msk $0xffff, v12  }
0x91: {  	v63 =	vmul.f32 v22, v51;
	v10 =	vsel vm15, v56, v57;
	[tilespmem:v28+s0+$0x0] =	vst.idx.add.f32.msk $0xffff, v14  }
0x92: {  	v61 =	vsel vm15, v34, v58;
	v15 =	vsel vm15, v60, v15;
	[tilespmem:v9+s0+$0x0] =	vst.idx.add.f32.msk $0xffff, v62  }
0x93: {  	v12 =	vmul.f32 v10, v32;
	v14 =	vsel vm15, v36, v59;
	[tilespmem:v28+s31+$0x0] =	vst.idx.add.f32.msk $0xffff, v18  }
0x94: {  	v10 =	vmul.f32 v61, v33;
	v14 =	vmul.f32 v14, v35;
	[tilespmem:v9+s31+$0x0] =	vst.idx.add.f32.msk $0xffff, v63  }
0x95: {  	s20 =	simm.s32 $0x0;
	s21 =	simm.s32 $0x60;
	[tilespmem:v28+s7+$0x0] =	vst.idx.add.f32.msk $0xffff, v11;
	v11 =	vmul.f32 v13, v30;
	v13 =	vmul.f32 v15, v37  }
.LBB2_3:
0x96: {  	v15 =	vld [tilespmem:s21+$0x10]  }
0x97: {  	v16 =	vld [tilespmem:s21+$0xFFFFFFF0]  }
0x98: {  	v17 =	vld [tilespmem:s21+$0x0]  }
0x99: {  	s20 =	sadd.s32 $0x4, s20;
	s16 =	sadd.s32 $0x40, s16;
	v18 =	vld [tilespmem:s21+$0xFFFFFFE0]  }
0x9a: {  	p0 =	slt.u32 s20, $0xBC;
	v19 =	vld [tilespmem:s16+$0x10]  }
0x9b: {  	v20 =	vld [tilespmem:s16+$0xFFFFFFE0]  }
0x9c: {  	s17 =	sadd.s32 $0x40, s17;
	v21 =	vld [tilespmem:s16+$0xFFFFFFF0]  }
0x9d: {  	v22 =	vld [tilespmem:s17+$0x10]  }
0x9e: {  	v23 =	vld.idx.msk [tilespmem:v15+s25+$0x0], $0xffff  }
0x9f: {  	v24 =	vld.idx.msk [tilespmem:v15+s30+$0x0], $0xffff;
	v25 =	vand.u32 $0xF, v19  }
0xa0: {  	v26 =	vand.u32 $0xF, v20;
	vm0 =	vlt.s32 v20, $0x10;
	v20 =	vld.idx.msk [tilespmem:v15+s6+$0x0], $0xffff;
	v27 =	vperm.xlane v0, v25  }
0xa1: {  	v29 =	vperm.xlane v4, v25;
	v30 =	vperm.xlane v1, v25;
	v28 =	vand.u32 $0xF, v21;
	v15 =	vld.idx.msk [tilespmem:v15+s28+$0x0], $0xffff  }
0xa2: {  	vm1 =	vlt.s32 v19, $0x10;
	v19 =	vperm.xlane v5, v25;
	v32 =	vperm.xlane v2, v25;
	v31 =	vld [tilespmem:s16+$0x0]  }
0xa3: {  	v34 =	vperm.xlane v3, v25;
	v27 =	vsel vm1, v27, v29;
	v29 =	vperm.xlane v6, v25;
	v33 =	vld.idx.msk [tilespmem:v18+s25+$0x0], $0xffff  }
0xa4: {  	v19 =	vsel vm1, v30, v19;
	v25 =	vperm.xlane v7, v25;
	v23 =	vmul.f32 v27, v23;
	v35 =	vld.idx.msk [tilespmem:v18+s30+$0x0], $0xffff  }
0xa5: {  	v30 =	vperm.xlane v0, v26;
	v19 =	vmul.f32 v19, v24;
	v24 =	vsel vm1, v32, v29;
	v27 =	vld.idx.msk [tilespmem:v18+s6+$0x0], $0xffff  }
0xa6: {  	vm2 =	vlt.s32 v21, $0x10;
	v21 =	vsel vm1, v34, v25;
	v20 =	vmul.f32 v24, v20;
	[tilespmem:v22+s29+$0x0] =	vst.idx.add.f32.msk $0xffff, v23  }
0xa7: {  	v23 =	vperm.xlane v4, v26;
	v15 =	vmul.f32 v21, v15;
	v24 =	vand.u32 $0xF, v31;
	[tilespmem:v22+s0+$0x0] =	vst.idx.add.f32.msk $0xffff, v19  }
0xa8: {  	v21 =	vperm.xlane v5, v26;
	v19 =	vperm.xlane v1, v26;
	vm1 =	vlt.s32 v31, $0x10;
	[tilespmem:v22+s31+$0x0] =	vst.idx.add.f32.msk $0xffff, v20  }
0xa9: {  	v25 =	vperm.xlane v6, v26;
	v20 =	vperm.xlane v2, v26;
	[tilespmem:v22+s7+$0x0] =	vst.idx.add.f32.msk $0xffff, v15  }
0xaa: {  	v22 =	vperm.xlane v3, v26;
	v15 =	vld.idx.msk [tilespmem:v18+s28+$0x0], $0xffff;
	v18 =	vsel vm0, v30, v23;
	v23 =	vperm.xlane v7, v26  }
0xab: {  	v29 =	vperm.xlane v4, v28;
	v19 =	vsel vm0, v19, v21;
	v26 =	vperm.xlane v0, v28;
	v21 =	vld.idx.msk [tilespmem:v16+s25+$0x0], $0xffff  }
0xac: {  	v31 =	vperm.xlane v5, v28;
	v20 =	vsel vm0, v20, v25;
	v30 =	vperm.xlane v1, v28;
	v25 =	vld.idx.msk [tilespmem:v16+s30+$0x0], $0xffff  }
0xad: {  	v32 =	vperm.xlane v2, v28;
	v34 =	vperm.xlane v6, v28;
	v22 =	vsel vm0, v22, v23;
	v23 =	vld.idx.msk [tilespmem:v16+s6+$0x0], $0xffff  }
0xae: {  	v26 =	vsel vm2, v26, v29;
	v29 =	vperm.xlane v3, v28;
	v28 =	vperm.xlane v7, v28;
	v16 =	vld.idx.msk [tilespmem:v16+s28+$0x0], $0xffff  }
0xaf: {  	v36 =	vperm.xlane v0, v24;
	v37 =	vperm.xlane v4, v24;
	v30 =	vsel vm2, v30, v31;
	v31 =	vld.idx.msk [tilespmem:v17+s25+$0x0], $0xffff  }
0xb0: {  	v32 =	vsel vm2, v32, v34;
	v38 =	vperm.xlane v1, v24;
	v39 =	vperm.xlane v5, v24;
	v34 =	vld.idx.msk [tilespmem:v17+s30+$0x0], $0xffff  }
0xb1: {  	v40 =	vperm.xlane v2, v24;
	v41 =	vperm.xlane v6, v24;
	v28 =	vsel vm2, v29, v28;
	v29 =	vld.idx.msk [tilespmem:v17+s6+$0x0], $0xffff  }
0xb2: {  	v36 =	vsel vm1, v36, v37;
	v37 =	vperm.xlane v3, v24;
	v24 =	vperm.xlane v7, v24;
	v17 =	vld.idx.msk [tilespmem:v17+s28+$0x0], $0xffff  }
0xb3: {  	v18 =	vmul.f32 v18, v33;
	v33 =	vsel vm1, v38, v39;
	v38 =	vsel vm1, v40, v41;
	v42 =	vld [tilespmem:s17+$0xFFFFFFE0]  }
0xb4: {  	v19 =	vmul.f32 v19, v35;
	v20 =	vmul.f32 v20, v27;
	v24 =	vsel vm1, v37, v24;
	v27 =	vld [tilespmem:s17+$0xFFFFFFF0]  }
0xb5: {  	v15 =	vmul.f32 v22, v15;
	v21 =	vmul.f32 v26, v21;
	v22 =	vld [tilespmem:s17+$0x0]  }
0xb6: {  	v25 =	vmul.f32 v30, v25;
	v23 =	vmul.f32 v32, v23;
	[tilespmem:v9+s7+$0x0] =	vst.idx.add.f32.msk $0xffff, v11  }
0xb7: {  	v11 =	vmul.f32 v28, v16;
	[tilespmem:v8+s29+$0x0] =	vst.idx.add.f32.msk $0xffff, v12;
	v12 =	vmul.f32 v36, v31  }
0xb8: {  	v16 =	vmul.f32 v38, v29;
	[tilespmem:v8+s0+$0x0] =	vst.idx.add.f32.msk $0xffff, v10;
	v10 =	vmul.f32 v33, v34  }
0xb9: {  	v17 =	vmul.f32 v24, v17;
	[tilespmem:v8+s31+$0x0] =	vst.idx.add.f32.msk $0xffff, v14;
	v9 =	vmov v27  }
0xba: {  	v14 =	vmov v16;
	[tilespmem:v8+s7+$0x0] =	vst.idx.add.f32.msk $0xffff, v13;
	v8 =	vmov v22  }
0xbb: {  	v13 =	vmov v17;
	[tilespmem:v42+s29+$0x0] =	vst.idx.add.f32.msk $0xffff, v18  }
0xbc: {  	[tilespmem:v42+s0+$0x0] =	vst.idx.add.f32.msk $0xffff, v19  }
.Ltmp0:
0xbd: {  	[tilespmem:v42+s31+$0x0] =	vst.idx.add.f32.msk $0xffff, v20;
	(pc) =	sbr.rel @p0 .LBB2_3-.Ltmp0, $4  }
0xbe: {  	[tilespmem:v42+s7+$0x0] =	vst.idx.add.f32.msk $0xffff, v15  }
0xbf: {  	[tilespmem:v27+s29+$0x0] =	vst.idx.add.f32.msk $0xffff, v21  }
0xc0: {  	[tilespmem:v27+s0+$0x0] =	vst.idx.add.f32.msk $0xffff, v25  }
0xc1: {  	s21 =	sadd.s32 $0x40, s21;
	[tilespmem:v27+s31+$0x0] =	vst.idx.add.f32.msk $0xffff, v23  }
0xc2: {  	_ =	sdelay $0x3  }
0xc3: {  	[tilespmem:v9+s7+$0x0] =	vst.idx.add.f32.msk $0xffff, v11  }
0xc4: {  	[tilespmem:v8+s29+$0x0] =	vst.idx.add.f32.msk $0xffff, v12;
	p0 =	seq.s32 s14, $0x35  }
0xc5: {  	[tilespmem:v8+s0+$0x0] =	vst.idx.add.f32.msk $0xffff, v10;
	s15 =	sadd.s32 @!p0 s15, s19  }
0xc6: {  	[tilespmem:v8+s31+$0x0] =	vst.idx.add.f32.msk $0xffff, v14;
	s15 =	sshrl.u32 @!p0 s15, $0x3  }
0xc7: {  	s17 =	simm.s32 @!p0 $0x0;
	[tilespmem:v8+s7+$0x0] =	vst.idx.add.f32.msk $0xffff, v13;
	s16 =	sadd.s32 @!p0 s1, s15  }
0xc8: {  	[tilespmem:s17], [sflag:$0x1] =	stream.linear.gather @!p0 [hbm4b:s16+s17], $0xC00, $0x38;
	[tilespmem:$0x18480] =	vst v63  }
0xc9: {  	s20 =	simm.s32 @!p0 $0x1800;
	s16 =	sadd.s32 @!p0 s2, s15  }
0xca: {  	[tilespmem:s20], [sflag:$0x1] =	stream.linear.gather @!p0 [hbm4b:s16+s17], $0xC00, $0x38;
	[tilespmem:$0x18480] =	vst v63  }
0xcb: {  	s15 =	sadd.s32 @!p0 s3, s15;
	s16 =	simm.s32 @!p0 $0x3000  }
0xcc: {  	[tilespmem:s16], [sflag:$0x1] =	stream.linear.gather @!p0 [hbm4b:s15+s17], $0xC00, $0x38;
	[tilespmem:$0x18480] =	vst v63  }
0xcd: {  	_ =	swait.ge [sflag:s12], $0xC00  }
0xce: {  	[sflag:s12] =	ssyncset.done $0x0  }
0xcf: {  	[sflag:s12] =	ssyncadd.s32 $0xFFFFF400  }
0xd0: {  	_ =	swait.ge [sflag:s12], $0xC00  }
0xd1: {  	[sflag:s12] =	ssyncset.done $0x0  }
0xd2: {  	[sflag:s12] =	ssyncadd.s32 $0xFFFFF400  }
0xd3: {  	_ =	swait.ge [sflag:s12], $0xC00  }
0xd4: {  	[sflag:s12] =	ssyncset.done $0x0  }
0xd5: {  	s21 =	simm.s32 $0xC20;
	[sflag:s12] =	ssyncadd.s32 $0xFFFFF400  }
0xd6: {  	v8 =	vld [tilespmem:s21+$0x10]  }
0xd7: {  	v9 =	vld [tilespmem:s21+$0xFFFFFFF0]  }
0xd8: {  	v10 =	vld [tilespmem:s21+$0x0]  }
0xd9: {  	s15 =	simm.s32 $0x3C20;
	v11 =	vld [tilespmem:s21+$0xFFFFFFE0]  }
0xda: {  	v12 =	vld [tilespmem:s15+$0x10]  }
0xdb: {  	v13 =	vld [tilespmem:s15+$0xFFFFFFE0]  }
0xdc: {  	s16 =	simm.s32 $0x2420;
	v14 =	vld [tilespmem:s15+$0xFFFFFFF0]  }
0xdd: {  	v15 =	vld [tilespmem:s16+$0x10]  }
0xde: {  	v23 =	vld [tilespmem:s15+$0x0]  }
0xdf: {  	v18 =	vand.u32 $0xF, v12;
	v16 =	vld.idx.msk [tilespmem:v8+s25+$0x0], $0xffff  }
0xe0: {  	v20 =	vperm.xlane v0, v18;
	v17 =	vld.idx.msk [tilespmem:v8+s30+$0x0], $0xffff  }
0xe1: {  	v21 =	vperm.xlane v4, v18;
	v22 =	vperm.xlane v1, v18;
	v19 =	vld.idx.msk [tilespmem:v8+s6+$0x0], $0xffff  }
0xe2: {  	vm0 =	vlt.s32 v12, $0x10;
	v12 =	vperm.xlane v5, v18;
	v24 =	vperm.xlane v2, v18;
	v8 =	vld.idx.msk [tilespmem:v8+s28+$0x0], $0xffff  }
0xe3: {  	v28 =	vld [tilespmem:s16+$0xFFFFFFE0];
	v39 =	vperm.xlane v6, v18;
	v26 =	vperm.xlane v3, v18;
	v20 =	vsel vm0, v20, v21  }
0xe4: {  	v18 =	vperm.xlane v7, v18;
	v25 =	vld.idx.msk [tilespmem:v11+s25+$0x0], $0xffff;
	v12 =	vsel vm0, v22, v12;
	v16 =	vmul.f32 v20, v16  }
0xe5: {  	vm2 =	vlt.s32 v13, $0x10;
	v27 =	vld.idx.msk [tilespmem:v11+s30+$0x0], $0xffff;
	v12 =	vmul.f32 v12, v17  }
0xe6: {  	vm1 =	vlt.s32 v14, $0x10;
	v41 =	vsel vm0, v24, v39;
	v43 =	vsel vm0, v26, v18;
	[tilespmem:v15+s29+$0x0] =	vst.idx.add.f32.msk $0xffff, v16  }
0xe7: {  	v42 =	vmul.f32 v41, v19;
	v8 =	vmul.f32 v43, v8;
	[tilespmem:v15+s0+$0x0] =	vst.idx.add.f32.msk $0xffff, v12;
	v12 =	vand.u32 $0xF, v13  }
0xe8: {  	v40 =	vld.idx.msk [tilespmem:v11+s6+$0x0], $0xffff;
	v13 =	vand.u32 $0xF, v14;
	v44 =	vperm.xlane v0, v12;
	v14 =	vperm.xlane v1, v12  }
0xe9: {  	v47 =	vld.idx.msk [tilespmem:v9+s25+$0x0], $0xffff;
	v45 =	vperm.xlane v5, v12;
	v46 =	vperm.xlane v2, v12  }
0xea: {  	v50 =	vld.idx.msk [tilespmem:v9+s30+$0x0], $0xffff;
	v48 =	vperm.xlane v6, v12;
	v49 =	vperm.xlane v3, v12  }
0xeb: {  	v52 =	vld.idx.msk [tilespmem:v9+s6+$0x0], $0xffff;
	v51 =	vperm.xlane v0, v13;
	v53 =	vperm.xlane v4, v13  }
0xec: {  	v30 =	vld.idx.msk [tilespmem:v9+s28+$0x0], $0xffff;
	v54 =	vperm.xlane v1, v13;
	v55 =	vperm.xlane v5, v13  }
0xed: {  	v9 =	vld [tilespmem:s16+$0xFFFFFFF0];
	v29 =	vperm.xlane v2, v13;
	v56 =	vperm.xlane v6, v13  }
0xee: {  	[tilespmem:v15+s31+$0x0] =	vst.idx.add.f32.msk $0xffff, v42;
	v31 =	vperm.xlane v3, v13;
	v13 =	vperm.xlane v7, v13  }
0xef: {  	[tilespmem:v15+s7+$0x0] =	vst.idx.add.f32.msk $0xffff, v8;
	v8 =	vperm.xlane v4, v12;
	v15 =	vand.u32 $0xF, v23;
	v12 =	vperm.xlane v7, v12  }
0xf0: {  	v11 =	vld.idx.msk [tilespmem:v11+s28+$0x0], $0xffff;
	v14 =	vsel vm2, v14, v45;
	v18 =	vsel vm2, v46, v48;
	v16 =	vsel vm1, v51, v53  }
0xf1: {  	v32 =	vld.idx.msk [tilespmem:v10+s25+$0x0], $0xffff;
	v57 =	vperm.xlane v0, v15;
	v21 =	vsel vm1, v54, v55;
	v58 =	vperm.xlane v4, v15  }
0xf2: {  	v33 =	vld.idx.msk [tilespmem:v10+s30+$0x0], $0xffff;
	v34 =	vperm.xlane v1, v15;
	v22 =	vsel vm1, v29, v56;
	v59 =	vperm.xlane v5, v15  }
0xf3: {  	v35 =	vld.idx.msk [tilespmem:v10+s6+$0x0], $0xffff;
	v36 =	vperm.xlane v2, v15;
	v60 =	vperm.xlane v6, v15;
	v8 =	vsel vm2, v44, v8  }
0xf4: {  	v37 =	vld.idx.msk [tilespmem:v10+s28+$0x0], $0xffff;
	v10 =	vperm.xlane v3, v15;
	v12 =	vsel vm2, v49, v12;
	v25 =	vmul.f32 v8, v25  }
0xf5: {  	v13 =	vsel vm1, v31, v13;
	v8 =	vld [tilespmem:s16+$0x0];
	v11 =	vmul.f32 v12, v11;
	v12 =	vmul.f32 v16, v47  }
0xf6: {  	v15 =	vperm.xlane v7, v15;
	v14 =	vmul.f32 v14, v27;
	[tilespmem:v28+s29+$0x0] =	vst.idx.add.f32.msk $0xffff, v25  }
0xf7: {  	vm15 =	vlt.s32 v23, $0x10;
	v18 =	vmul.f32 v18, v40;
	v62 =	vmul.f32 v21, v50;
	[tilespmem:v9+s29+$0x0] =	vst.idx.add.f32.msk $0xffff, v12  }
0xf8: {  	v63 =	vmul.f32 v22, v52;
	v17 =	vsel vm15, v57, v58;
	[tilespmem:v28+s0+$0x0] =	vst.idx.add.f32.msk $0xffff, v14  }
0xf9: {  	v61 =	vsel vm15, v34, v59;
	v15 =	vsel vm15, v10, v15;
	[tilespmem:v9+s0+$0x0] =	vst.idx.add.f32.msk $0xffff, v62  }
0xfa: {  	v10 =	vmul.f32 v13, v30;
	v13 =	vmul.f32 v15, v37;
	[tilespmem:v28+s31+$0x0] =	vst.idx.add.f32.msk $0xffff, v18  }
0xfb: {  	v12 =	vmul.f32 v61, v33;
	v14 =	vsel vm15, v36, v60;
	[tilespmem:v9+s31+$0x0] =	vst.idx.add.f32.msk $0xffff, v63  }
0xfc: {  	s20 =	simm.s32 $0xC60;
	s17 =	simm.s32 $0x0;
	v14 =	vmul.f32 v14, v35;
	[tilespmem:v28+s7+$0x0] =	vst.idx.add.f32.msk $0xffff, v11;
	v11 =	vmul.f32 v17, v32  }
.LBB2_5:
0xfd: {  	v15 =	vld [tilespmem:s20+$0x10]  }
0xfe: {  	v16 =	vld [tilespmem:s20+$0xFFFFFFF0]  }
0xff: {  	v17 =	vld [tilespmem:s20+$0x0]  }
0x100: {  	s17 =	sadd.s32 $0x4, s17;
	s15 =	sadd.s32 $0x40, s15;
	v18 =	vld [tilespmem:s20+$0xFFFFFFE0]  }
0x101: {  	p0 =	slt.u32 s17, $0xBC;
	v19 =	vld [tilespmem:s15+$0x10]  }
0x102: {  	v20 =	vld [tilespmem:s15+$0xFFFFFFE0]  }
0x103: {  	s16 =	sadd.s32 $0x40, s16;
	v21 =	vld [tilespmem:s15+$0xFFFFFFF0]  }
0x104: {  	v22 =	vld [tilespmem:s16+$0x10]  }
0x105: {  	v23 =	vld.idx.msk [tilespmem:v15+s25+$0x0], $0xffff  }
0x106: {  	v24 =	vld.idx.msk [tilespmem:v15+s30+$0x0], $0xffff;
	v25 =	vand.u32 $0xF, v19  }
0x107: {  	v26 =	vand.u32 $0xF, v20;
	vm0 =	vlt.s32 v20, $0x10;
	v20 =	vld.idx.msk [tilespmem:v15+s6+$0x0], $0xffff;
	v27 =	vperm.xlane v0, v25  }
0x108: {  	v29 =	vperm.xlane v4, v25;
	v30 =	vperm.xlane v1, v25;
	v28 =	vand.u32 $0xF, v21;
	v15 =	vld.idx.msk [tilespmem:v15+s28+$0x0], $0xffff  }
0x109: {  	vm1 =	vlt.s32 v19, $0x10;
	v19 =	vperm.xlane v5, v25;
	v32 =	vperm.xlane v2, v25;
	v31 =	vld [tilespmem:s15+$0x0]  }
0x10a: {  	v34 =	vperm.xlane v3, v25;
	v27 =	vsel vm1, v27, v29;
	v29 =	vperm.xlane v6, v25;
	v33 =	vld.idx.msk [tilespmem:v18+s25+$0x0], $0xffff  }
0x10b: {  	v19 =	vsel vm1, v30, v19;
	v25 =	vperm.xlane v7, v25;
	v23 =	vmul.f32 v27, v23;
	v35 =	vld.idx.msk [tilespmem:v18+s30+$0x0], $0xffff  }
0x10c: {  	v30 =	vperm.xlane v0, v26;
	v19 =	vmul.f32 v19, v24;
	v24 =	vsel vm1, v32, v29;
	v27 =	vld.idx.msk [tilespmem:v18+s6+$0x0], $0xffff  }
0x10d: {  	vm2 =	vlt.s32 v21, $0x10;
	v21 =	vsel vm1, v34, v25;
	v20 =	vmul.f32 v24, v20;
	[tilespmem:v22+s29+$0x0] =	vst.idx.add.f32.msk $0xffff, v23  }
0x10e: {  	v23 =	vperm.xlane v4, v26;
	v15 =	vmul.f32 v21, v15;
	v24 =	vand.u32 $0xF, v31;
	[tilespmem:v22+s0+$0x0] =	vst.idx.add.f32.msk $0xffff, v19  }
0x10f: {  	v21 =	vperm.xlane v5, v26;
	v19 =	vperm.xlane v1, v26;
	vm1 =	vlt.s32 v31, $0x10;
	[tilespmem:v22+s31+$0x0] =	vst.idx.add.f32.msk $0xffff, v20  }
0x110: {  	v25 =	vperm.xlane v6, v26;
	v20 =	vperm.xlane v2, v26;
	[tilespmem:v22+s7+$0x0] =	vst.idx.add.f32.msk $0xffff, v15  }
0x111: {  	v22 =	vperm.xlane v3, v26;
	v15 =	vld.idx.msk [tilespmem:v18+s28+$0x0], $0xffff;
	v18 =	vsel vm0, v30, v23;
	v23 =	vperm.xlane v7, v26  }
0x112: {  	v29 =	vperm.xlane v4, v28;
	v19 =	vsel vm0, v19, v21;
	v26 =	vperm.xlane v0, v28;
	v21 =	vld.idx.msk [tilespmem:v16+s25+$0x0], $0xffff  }
0x113: {  	v31 =	vperm.xlane v5, v28;
	v20 =	vsel vm0, v20, v25;
	v30 =	vperm.xlane v1, v28;
	v25 =	vld.idx.msk [tilespmem:v16+s30+$0x0], $0xffff  }
0x114: {  	v32 =	vperm.xlane v2, v28;
	v34 =	vperm.xlane v6, v28;
	v22 =	vsel vm0, v22, v23;
	v23 =	vld.idx.msk [tilespmem:v16+s6+$0x0], $0xffff  }
0x115: {  	v26 =	vsel vm2, v26, v29;
	v29 =	vperm.xlane v3, v28;
	v28 =	vperm.xlane v7, v28;
	v16 =	vld.idx.msk [tilespmem:v16+s28+$0x0], $0xffff  }
0x116: {  	v36 =	vperm.xlane v0, v24;
	v37 =	vperm.xlane v4, v24;
	v30 =	vsel vm2, v30, v31;
	v31 =	vld.idx.msk [tilespmem:v17+s25+$0x0], $0xffff  }
0x117: {  	v32 =	vsel vm2, v32, v34;
	v38 =	vperm.xlane v1, v24;
	v39 =	vperm.xlane v5, v24;
	v34 =	vld.idx.msk [tilespmem:v17+s30+$0x0], $0xffff  }
0x118: {  	v40 =	vperm.xlane v2, v24;
	v41 =	vperm.xlane v6, v24;
	v28 =	vsel vm2, v29, v28;
	v29 =	vld.idx.msk [tilespmem:v17+s6+$0x0], $0xffff  }
0x119: {  	v36 =	vsel vm1, v36, v37;
	v37 =	vperm.xlane v3, v24;
	v24 =	vperm.xlane v7, v24;
	v17 =	vld.idx.msk [tilespmem:v17+s28+$0x0], $0xffff  }
0x11a: {  	v18 =	vmul.f32 v18, v33;
	v33 =	vsel vm1, v38, v39;
	v38 =	vsel vm1, v40, v41;
	v42 =	vld [tilespmem:s16+$0xFFFFFFE0]  }
0x11b: {  	v19 =	vmul.f32 v19, v35;
	v20 =	vmul.f32 v20, v27;
	v24 =	vsel vm1, v37, v24;
	v27 =	vld [tilespmem:s16+$0xFFFFFFF0]  }
0x11c: {  	v15 =	vmul.f32 v22, v15;
	v21 =	vmul.f32 v26, v21;
	v22 =	vld [tilespmem:s16+$0x0]  }
0x11d: {  	v25 =	vmul.f32 v30, v25;
	v23 =	vmul.f32 v32, v23;
	[tilespmem:v9+s7+$0x0] =	vst.idx.add.f32.msk $0xffff, v10  }
0x11e: {  	v10 =	vmul.f32 v28, v16;
	[tilespmem:v8+s29+$0x0] =	vst.idx.add.f32.msk $0xffff, v11;
	v11 =	vmul.f32 v36, v31  }
0x11f: {  	v16 =	vmul.f32 v38, v29;
	[tilespmem:v8+s0+$0x0] =	vst.idx.add.f32.msk $0xffff, v12;
	v12 =	vmul.f32 v33, v34  }
0x120: {  	v17 =	vmul.f32 v24, v17;
	[tilespmem:v8+s31+$0x0] =	vst.idx.add.f32.msk $0xffff, v14;
	v9 =	vmov v27  }
0x121: {  	v14 =	vmov v16;
	[tilespmem:v8+s7+$0x0] =	vst.idx.add.f32.msk $0xffff, v13;
	v8 =	vmov v22  }
0x122: {  	v13 =	vmov v17;
	[tilespmem:v42+s29+$0x0] =	vst.idx.add.f32.msk $0xffff, v18  }
0x123: {  	[tilespmem:v42+s0+$0x0] =	vst.idx.add.f32.msk $0xffff, v19  }
.Ltmp1:
0x124: {  	[tilespmem:v42+s31+$0x0] =	vst.idx.add.f32.msk $0xffff, v20;
	(pc) =	sbr.rel @p0 .LBB2_5-.Ltmp1, $4  }
0x125: {  	[tilespmem:v42+s7+$0x0] =	vst.idx.add.f32.msk $0xffff, v15  }
0x126: {  	[tilespmem:v27+s29+$0x0] =	vst.idx.add.f32.msk $0xffff, v21  }
0x127: {  	[tilespmem:v27+s0+$0x0] =	vst.idx.add.f32.msk $0xffff, v25  }
0x128: {  	s20 =	sadd.s32 $0x40, s20;
	[tilespmem:v27+s31+$0x0] =	vst.idx.add.f32.msk $0xffff, v23  }
0x129: {  	_ =	sdelay $0x1  }
0x12a: {  	s14 =	sadd.s32 $0x1, s14  }
0x12b: {  	p0 =	sne.s32 s14, $0x36  }
.Ltmp2:
0x12c: {  	[tilespmem:v9+s7+$0x0] =	vst.idx.add.f32.msk $0xffff, v10;
	(pc) =	sbr.rel @p0 .LBB2_2-.Ltmp2, $4  }
0x12d: {  	[tilespmem:v8+s29+$0x0] =	vst.idx.add.f32.msk $0xffff, v11  }
0x12e: {  	[tilespmem:v8+s0+$0x0] =	vst.idx.add.f32.msk $0xffff, v12  }
0x12f: {  	[tilespmem:v8+s31+$0x0] =	vst.idx.add.f32.msk $0xffff, v14  }
0x130: {  	[tilespmem:v8+s7+$0x0] =	vst.idx.add.f32.msk $0xffff, v13  }
0x131: {  	s14 =	rddreg [dreg:$0x12]  }
0x132: {  	[hbm4b:s14+s5] =	stream.linear.scatter [tilespmem:s29], [sflag:$0x3], $0x2780, $0x38;
	[tilespmem:$0x18480] =	vst v63  }
0x133: {  	_ =	swait.ge [sflag:s26], $0x2780  }
0x134: {  	[sflag:s26] =	ssyncset.done $0x0  }
0x135: {  	s21 =	rddreg [dreg:$0x13];
	[sflag:s26] =	ssyncadd.s32 $0xFFFFD880  }
0x136: {  	[hbm4b:s21+s5] =	stream.linear.scatter [tilespmem:s0], [sflag:$0x3], $0x2780, $0x38;
	[tilespmem:$0x18480] =	vst v63  }
0x137: {  	_ =	swait.ge [sflag:s26], $0x2780  }
0x138: {  	[sflag:s26] =	ssyncset.done $0x0  }
0x139: {  	[sflag:s26] =	ssyncadd.s32 $0xFFFFD880  }
0x13a: {  	[hbm4b:s22+s5] =	stream.linear.scatter [tilespmem:s31], [sflag:$0x3], $0x2780, $0x38;
	[tilespmem:$0x18480] =	vst v63  }
0x13b: {  	s13 =	sadd.s32 $0x1, s13;
	_ =	swait.ge [sflag:s26], $0x2780  }
0x13c: {  	p0 =	sne.s32 s13, s24;
	[sflag:s26] =	ssyncset.done $0x0  }
.Ltmp3:
0x13d: {  	[sflag:s26] =	ssyncadd.s32 $0xFFFFD880;
	(pc) =	sbr.rel @p0 .LBB2_1-.Ltmp3, $4  }
0x13e: {  	[hbm4b:s23+s5] =	stream.linear.scatter [tilespmem:s7], [sflag:$0x3], $0x2780, $0x38;
	[tilespmem:$0x18480] =	vst v63  }
0x13f: {  	_ =	swait.ge [sflag:s26], $0x2780  }
0x140: {  	[sflag:s26] =	ssyncset.done $0x0  }
0x141: {  	[sflag:s26] =	ssyncadd.s32 $0xFFFFD880  }
0x142: {  	_ =	sfence.sel $0x180000  }
0x143: {  	[bflag:$0x0] =	sbarrier.arrive $0xFFFF  }
0x144: {  	_ =	strace $0x90000047  }
0x145: {  	s0 =	stileid.u32;
	[bflag:$0x2] =	sbarrier.arrive $0xFFFF  }
0x146: {  	p0 =	sne.s32 s0, $0x0;
	s0 =	rddreg [dreg:$0x6]  }
0x147: {  	s0 =	sadd.s32 @!p0 $0x100000, s0  }
0x148: {  	[sflag:s0] =	ssyncadd.tile.s32 @!p0 $0x1;
	_ =	shalt  }
.Lfunc_end2:
_tile_overlayer_lowered:
.L_overlay_start_2:
0x149: {  	(tag) =	ssettag $0x2  }
0x14a: {  	s0 =	rddreg [dreg:$0x0];
	s2 =	stileid.u32  }
0x14b: {  	s1 =	rddreg [dreg:$0x1];
	p0 =	sne.s32 s2, $0x0  }
0x14c: {  	s3 =	rddreg [dreg:$0x2];
	[bflag:$0x3] =	sbarrier.arrive $0xFFFF;
	s2 =	simm.s32 @!p0 $0x1C03  }
0x14d: {  	[timem:s3], [sflag:s2] =	dma.local @!p0 [hbm:s0], s1  }
0x14e: {  	s0 =	simm.s32 @!p0 $0x3  }
0x14f: {  	_ =	swait.ge @!p0 [sflag:s0], s1  }
0x150: {  	s1 =	ssub.s32 @!p0 $0x0, s1;
	[sflag:s0] =	ssyncset.done @!p0 $0x0  }
0x151: {  	[sflag:s0] =	ssyncadd.s32 @!p0 s1  }
0x152: {  	[bflag:$0x3] =	sbarrier.arrive $0xFFFF  }
0x153: {  	_ =	shalt  }

</sc_bundles>
